<compile_context>
chip_gen: v7x
topology: tpu7x:2x2x1
jax: 0.10.2.dev20260603
libtpu: 0.0.44.dev20260713+nightly
codegen_flags: <defaults>
</compile_context>

<pallas_src>
import functools

import jax
import jax.numpy as jnp
from jax import lax
from jax.experimental import pallas as pl
from jax.experimental.pallas import tpu as pltpu
from jax.experimental.pallas import tpu_sc as plsc

N = 2048
H = 768
FFN = 3072
E = 8
CAP = 320
FB_CAP = 1600
NSLOT = E * CAP + FB_CAP
CH = 256
NW = 32
TPW = N // NW



def _router_body(x_ref, w_ref, b_ref,
                 logits_ref, gates_ref, idx_ref, slot_ref, nfb_ref,
                 util_ref, f_ref, p_ref):
    x = x_ref[...]
    logits = jnp.dot(x, w_ref[...], preferred_element_type=jnp.float32) + b_ref[...]
    logits_ref[...] = logits

    m = jnp.max(logits, axis=1, keepdims=True)
    ex = jnp.exp(logits - m)
    g = ex / jnp.sum(ex, axis=1, keepdims=True)

    lane = lax.broadcasted_iota(jnp.int32, (N, E), 1)
    m1 = jnp.max(g, axis=1, keepdims=True)
    i1 = jnp.min(jnp.where(g == m1, lane, E), axis=1, keepdims=True)
    g2m = jnp.where(lane == i1, -1.0, g)
    m2 = jnp.max(g2m, axis=1, keepdims=True)
    i2 = jnp.min(jnp.where(g2m == m2, lane, E), axis=1, keepdims=True)

    topmask = (lane == i1) | (lane == i2)
    gates = jnp.where(topmask, g, 0.0) / (m1 + m2 + 1e-9)
    gates_ref[...] = gates
    idx_ref[...] = jnp.concatenate([i1, i2], axis=1)
    p_ref[...] = jnp.sum(gates, axis=0, keepdims=True) * (1.0 / N)

    r = lax.broadcasted_iota(jnp.int32, (CH, CH), 0)
    c = lax.broadcasted_iota(jnp.int32, (CH, CH), 1)
    L = (r >= c).astype(jnp.float32)

    def cumsum_tokens(oh):
        parts = []
        carry = jnp.zeros((1, oh.shape[1]), jnp.float32)
        for ci in range(N // CH):
            cs = jnp.dot(L, oh[ci * CH:(ci + 1) * CH],
                         preferred_element_type=jnp.float32) + carry
            carry = cs[CH - 1:CH, :]
            parts.append(cs)
        return jnp.concatenate(parts, axis=0)

    oh_p = (lane == i1).astype(jnp.float32)
    rp = cumsum_tokens(oh_p)
    counts_p = rp[N - 1:N, :]
    tok_rank = jnp.sum(rp * oh_p, axis=1, keepdims=True) - 1.0
    keep = tok_rank < CAP
    used = jnp.minimum(counts_p, float(CAP))
    overflow = ~keep

    oh_s = ((lane == i2) & overflow).astype(jnp.float32)
    rs = cumsum_tokens(oh_s)
    tok_rank_s = jnp.sum(rs * oh_s, axis=1, keepdims=True) - 1.0
    free_tok = jnp.sum(oh_s * (float(CAP) - used), axis=1, keepdims=True)
    used_tok = jnp.sum(oh_s * used, axis=1, keepdims=True)
    take_second = overflow & (tok_rank_s < free_tok)
    use_fb = overflow & (~take_second)

    fb_cum = cumsum_tokens(use_fb.astype(jnp.float32))
    nfb_ref[...] = fb_cum[N - 1:N, :].astype(jnp.int32)

    slot = jnp.where(keep, i1.astype(jnp.float32) * CAP + tok_rank,
                     jnp.where(take_second,
                               i2.astype(jnp.float32) * CAP + used_tok + tok_rank_s,
                               E * CAP + fb_cum - 1.0))
    slot_ref[...] = slot.astype(jnp.int32)

    oh_a = oh_p * keep.astype(jnp.float32) \
        + ((lane == i2) & take_second).astype(jnp.float32)
    util_ref[...] = jnp.sum(oh_a, axis=0, keepdims=True) * (1.0 / N)
    f_ref[...] = counts_p * (1.0 / N)


_router_call = pl.pallas_call(
    _router_body,
    out_shape=(
        jax.ShapeDtypeStruct((N, E), jnp.float32),
        jax.ShapeDtypeStruct((N, E), jnp.float32),
        jax.ShapeDtypeStruct((N, 2), jnp.int32),
        jax.ShapeDtypeStruct((N, 1), jnp.int32),
        jax.ShapeDtypeStruct((1, 1), jnp.int32),
        jax.ShapeDtypeStruct((1, E), jnp.float32),
        jax.ShapeDtypeStruct((1, E), jnp.float32),
        jax.ShapeDtypeStruct((1, E), jnp.float32),
    ),
)



_sc_mesh = plsc.VectorSubcoreMesh(core_axis_name="c", subcore_axis_name="s")


@functools.partial(
    pl.kernel, mesh=_sc_mesh,
    out_type=jax.ShapeDtypeStruct((NSLOT, H), jnp.float32),
    scratch_types=[
        pltpu.VMEM((TPW,), jnp.int32),
        pltpu.VMEM((TPW, H), jnp.float32),
        pltpu.SemaphoreType.DMA,
    ],
)
def _dispatch(x_hbm, slot_hbm, buf_hbm, idx_v, rows_v, sem):
    wid = lax.axis_index("s") * 2 + lax.axis_index("c")
    base = wid * TPW
    pltpu.sync_copy(slot_hbm.at[pl.ds(base, TPW)], idx_v)
    pltpu.sync_copy(x_hbm.at[pl.ds(base, TPW)], rows_v)
    pltpu.async_copy(rows_v, buf_hbm.at[idx_v], sem).wait()


@functools.partial(
    pl.kernel, mesh=_sc_mesh,
    out_type=jax.ShapeDtypeStruct((N, H), jnp.float32),
    scratch_types=[
        pltpu.VMEM((TPW,), jnp.int32),
        pltpu.VMEM((TPW, H), jnp.float32),
        pltpu.SemaphoreType.DMA,
    ],
)
def _combine(buf_hbm, slot_hbm, y_hbm, idx_v, rows_v, sem):
    wid = lax.axis_index("s") * 2 + lax.axis_index("c")
    base = wid * TPW
    pltpu.sync_copy(slot_hbm.at[pl.ds(base, TPW)], idx_v)
    pltpu.async_copy(buf_hbm.at[idx_v], rows_v, sem).wait()
    pltpu.sync_copy(rows_v, y_hbm.at[pl.ds(base, TPW)])



def _gelu_exact(x):
    return 0.5 * x * (1.0 + jnp.tanh(0.7978845608028654 * (x + 0.044715 * x * x * x)))


def _ffn_block(xb, w1, b1, w2, b2):
    T = 4
    C = FFN // T
    acc = jnp.broadcast_to(b2, (CAP, H))
    for t in range(T):
        h = jnp.dot(xb, w1[:, t * C:(t + 1) * C],
                    preferred_element_type=jnp.float32) + b1[:, t * C:(t + 1) * C]
        g = _gelu_exact(h)
        acc = acc + jnp.dot(g, w2[t * C:(t + 1) * C, :],
                            preferred_element_type=jnp.float32)
    return acc


def _ffn_body(nfb_ref, buf_ref, w1_ref, b1_ref, w2_ref, b2_ref,
              sw1_ref, sb1_ref, sw2_ref, sb2_ref, out_ref):
    i = pl.program_id(0)
    xb = buf_ref[...]

    @pl.when(i < E)
    def _expert():
        out_ref[...] = _ffn_block(xb, w1_ref[0], b1_ref[0], w2_ref[0], b2_ref[0])

    @pl.when((i >= E) & ((i - E) * CAP < nfb_ref[0]))
    def _fallback():
        out_ref[...] = _ffn_block(xb, sw1_ref[...], sb1_ref[...],
                                  sw2_ref[...], sb2_ref[...])


_ffn_call = pl.pallas_call(
    _ffn_body,
    grid_spec=pltpu.PrefetchScalarGridSpec(
        num_scalar_prefetch=1,
        grid=(NSLOT // CAP,),
        in_specs=[
            pl.BlockSpec((CAP, H), lambda i, n: (i, 0)),
            pl.BlockSpec((1, H, FFN), lambda i, n: (jnp.minimum(i, E - 1), 0, 0)),
            pl.BlockSpec((1, 1, FFN), lambda i, n: (jnp.minimum(i, E - 1), 0, 0)),
            pl.BlockSpec((1, FFN, H), lambda i, n: (jnp.minimum(i, E - 1), 0, 0)),
            pl.BlockSpec((1, 1, H), lambda i, n: (jnp.minimum(i, E - 1), 0, 0)),
            pl.BlockSpec((H, FFN), lambda i, n: (0, 0)),
            pl.BlockSpec((1, FFN), lambda i, n: (0, 0)),
            pl.BlockSpec((FFN, H), lambda i, n: (0, 0)),
            pl.BlockSpec((1, H), lambda i, n: (0, 0)),
        ],
        out_specs=pl.BlockSpec((CAP, H), lambda i, n: (i, 0)),
    ),
    out_shape=jax.ShapeDtypeStruct((NSLOT, H), jnp.float32),
    compiler_params=pltpu.CompilerParams(vmem_limit_bytes=100 * 1024 * 1024),
)



def kernel(x, router_w, router_b, W1, B1, W2, B2, SW1, SB1, SW2, SB2):
    x_f = x.reshape(N, H)
    (logits, gates, idx, slot, nfb, util, f, P) = _router_call(
        x_f, router_w, router_b.reshape(1, E))
    slot_flat = slot.reshape(N)
    buf = _dispatch(x_f, slot_flat)
    out_buf = _ffn_call(nfb.reshape(1), buf,
                        W1, B1.reshape(E, 1, FFN), W2, B2.reshape(E, 1, H),
                        SW1, SB1.reshape(1, FFN), SW2, SB2.reshape(1, H))
    y_f = _combine(out_buf, slot_flat)
    return (y_f.reshape(x.shape), util.reshape(E), f.reshape(E), P.reshape(E),
            logits, gates, idx)

# --- scband reference (transcript-rebuilt; emitter-appended) ---
"""Pipeline reference for scband-mo-elayer-12936441495906 (READ-ONLY COPY).

The authoritative reference and input builder live on the scoring server;
editing this copy changes nothing except your own understanding.
"""

import jax, jax.numpy as jnp
import numpy as np

B, T, H = 1, 2048, 768
FFN = 3072
E = 8
TOPK = 2
CAP_FACTOR = 1.25
TAU = 1.0


def setup_inputs(seed: int = 0) -> dict:
    key = jax.random.key(seed)
    ks = jax.random.split(key, 8)
    x = jax.random.normal(ks[0], (B, T, H), dtype=jnp.float32)
    router_w = jax.random.normal(ks[1], (H, E), dtype=jnp.float32) * 0.02
    router_b = jnp.zeros((E,), dtype=jnp.float32)
    W1 = jax.random.normal(ks[2], (E, H, FFN), dtype=jnp.float32) * 0.02
    B1 = jnp.zeros((E, FFN), dtype=jnp.float32)
    W2 = jax.random.normal(ks[3], (E, FFN, H), dtype=jnp.float32) * 0.02
    B2 = jnp.zeros((E, H), dtype=jnp.float32)
    SW1 = jax.random.normal(ks[4], (H, FFN), dtype=jnp.float32) * 0.02
    SB1 = jnp.zeros((FFN,), dtype=jnp.float32)
    SW2 = jax.random.normal(ks[5], (FFN, H), dtype=jnp.float32) * 0.02
    SB2 = jnp.zeros((H,), dtype=jnp.float32)
    return {"x": x, "router_w": router_w, "router_b": router_b, "W1": W1, "B1": B1, "W2": W2, "B2": B2, "SW1": SW1, "SB1": SB1, "SW2": SW2, "SB2": SB2}


def reference(x, router_w, router_b, W1, B1, W2, B2, SW1, SB1, SW2, SB2):
    Bsz, Tlen, Hd = x.shape
    N = Bsz * Tlen
    x_f = x.reshape(N, Hd)
    # --- TopKRouter ---
    logits = x_f @ router_w + router_b
    g_soft = jax.nn.softmax(logits / TAU, axis=-1)
    _, topk_idx = jax.lax.top_k(g_soft, TOPK)
    hard = jnp.zeros_like(g_soft).at[jnp.arange(N)[:, None], topk_idx].set(1.0)
    mask = jax.lax.stop_gradient(hard - g_soft) + g_soft
    g_top = g_soft * (mask > 0).astype(g_soft.dtype)
    gates_f = g_top / (jnp.sum(g_top, axis=-1, keepdims=True) + 1e-9)
    idx_f = topk_idx
    # --- capacity-constrained assignment ---
    cap = max(1, int(N / E * CAP_FACTOR))
    eids = jnp.arange(E)
    primary = idx_f[:, 0]
    oh_p = (primary[:, None] == eids[None, :]).astype(jnp.int32)
    rank_p = jnp.cumsum(oh_p, axis=0) - 1
    tok_rank = jnp.take_along_axis(rank_p, primary[:, None], axis=1)[:, 0]
    keep_primary = tok_rank < cap
    used = jnp.minimum(jnp.sum(oh_p, axis=0), cap)
    overflow = ~keep_primary
    second = idx_f[:, 1]
    oh_s = ((second[:, None] == eids[None, :]) & overflow[:, None]).astype(jnp.int32)
    rank_s = jnp.cumsum(oh_s, axis=0) - 1
    tok_rank_s = jnp.take_along_axis(rank_s, second[:, None], axis=1)[:, 0]
    free = cap - used
    take_second = overflow & (tok_rank_s < free[second])
    assign = jnp.where(keep_primary, primary, jnp.where(take_second, second, -1))
    use_fallback = overflow & (~take_second)
    # --- all experts over all tokens (as in reference torch code) ---
    h = jnp.einsum('nh,ehf->enf', x_f, W1) + B1[:, None, :]
    h = jax.nn.gelu(h, approximate=False)
    expert_stack = jnp.einsum('enf,efh->enh', h, W2) + B2[:, None, :]
    one_hot = ((assign[:, None] == eids[None, :]) & (assign >= 0)[:, None]).astype(x.dtype)
    y = jnp.einsum('enh,ne->nh', expert_stack, one_hot)
    # fallback self FFN for overflow tokens
    y_fb = jax.nn.gelu(x_f @ SW1 + SB1, approximate=False) @ SW2 + SB2
    y = jnp.where(use_fallback[:, None], y_fb, y)
    y = y.reshape(Bsz, Tlen, Hd)
    util = jnp.mean(one_hot, axis=0)
    f = jax.lax.stop_gradient(jnp.zeros((E,), x.dtype).at[primary].add(1.0) / N)
    P = jnp.mean(gates_f, axis=0)
    return (y, util, f, P, logits, gates_f, idx_f)

if __name__ == "__main__":
    import jax
    _d = setup_inputs()
    print(jax.jit(kernel)(*tuple(_d.values())))

</pallas_src>

<mosaic_0001>
#map = affine_map<(d0, d1) -> (0, 0)>
#map1 = affine_map<(d0, d1) -> (0)>
module attributes {stable_mosaic.version = 14 : i64} {
  func.func @_combine(%arg0: i32, %arg1: i32, %arg2: memref<4160x768xf32, #tpu.memory_space<hbm>>, %arg3: memref<2048xi32, #tpu.memory_space<hbm>>, %arg4: memref<2048x768xf32, #tpu.memory_space<hbm>>, %arg5: memref<64xi32, #tpu.memory_space<vmem>>, %arg6: memref<64x768xf32, #tpu.memory_space<vmem>>, %arg7: memref<!tpu.dma_semaphore, #tpu.memory_space<semaphore_mem>>) attributes {dimension_semantics = [#tpu.dimension_semantics<core_parallel>, #tpu.dimension_semantics<subcore_parallel>], iteration_bounds = array<i64: 2, 16>, scalar_prefetch = 0 : i64, scratch_operands = 3 : i64, tpu.core_type = #tpu.core_type<sc_vector_subcore>, window_params = [{transform_indices = #map}, {transform_indices = #map1}, {transform_indices = #map}]} {
    %mul3A = arith.constant 2 : i32
    %mul3A_0 = arith.muli %arg1, %mul3A : i32
    %add3A = arith.addi %mul3A_0, %arg0 : i32
    %mul3A_1 = arith.constant 64 : i32
    %mul3A_2 = arith.muli %add3A, %mul3A_1 : i32
    "tpu.region"() ({
      %run_scoped3A = tpu.sem_alloc : memref<!tpu.dma_semaphore, #tpu.memory_space<semaphore_mem>>
      %dma_start3A_7 = tpu.memref_slice %arg3[%mul3A_2] : memref<2048xi32, #tpu.memory_space<hbm>> -> memref<64xi32, #tpu.memory_space<hbm>>
      %dma_start3A_8 = tpu.memref_slice %arg3[%mul3A_2] : memref<2048xi32, #tpu.memory_space<hbm>> -> memref<64xi32, #tpu.memory_space<hbm>>
      tpu.enqueue_dma source(%dma_start3A_8 : memref<64xi32, #tpu.memory_space<hbm>>) target(%arg5 : memref<64xi32, #tpu.memory_space<vmem>>) target_semaphore(%run_scoped3A : memref<!tpu.dma_semaphore, #tpu.memory_space<semaphore_mem>>)
      %dma_wait3A_9 = tpu.memref_slice %arg3[%mul3A_2] : memref<2048xi32, #tpu.memory_space<hbm>> -> memref<64xi32, #tpu.memory_space<hbm>>
      %dma_wait3A_10 = tpu.memref_slice %arg3[%mul3A_2] : memref<2048xi32, #tpu.memory_space<hbm>> -> memref<64xi32, #tpu.memory_space<hbm>>
      tpu.wait_dma2 semaphore(%run_scoped3A : memref<!tpu.dma_semaphore, #tpu.memory_space<semaphore_mem>>) src(%dma_wait3A_10 : memref<64xi32, #tpu.memory_space<hbm>>) dst(%arg5 : memref<64xi32, #tpu.memory_space<vmem>>)
      tpu.yield
    }) : () -> ()
    %dma_start3A = arith.constant 0 : i32
    %dma_start3A_3 = arith.constant 0 : i32
    %dma_start3A_4 = tpu.memref_slice %arg2[%dma_start3A, %dma_start3A_3] : memref<4160x768xf32, #tpu.memory_space<hbm>> -> memref<4160x768xf32, #tpu.memory_space<hbm>>
    tpu.enqueue_indirect_dma source(%dma_start3A_4 : memref<4160x768xf32, #tpu.memory_space<hbm>>) target(%arg6 : memref<64x768xf32, #tpu.memory_space<vmem>>) offsets(%arg5 : memref<64xi32, #tpu.memory_space<vmem>>) semaphore(%arg7 : memref<!tpu.dma_semaphore, #tpu.memory_space<semaphore_mem>>)
    %dma_wait3A = arith.constant 0 : i32
    %dma_wait3A_5 = arith.constant 0 : i32
    %dma_wait3A_6 = tpu.memref_slice %arg2[%dma_wait3A, %dma_wait3A_5] : memref<4160x768xf32, #tpu.memory_space<hbm>> -> memref<4160x768xf32, #tpu.memory_space<hbm>>
    tpu.wait_indirect_dma semaphore(%arg7 : memref<!tpu.dma_semaphore, #tpu.memory_space<semaphore_mem>>) src(%dma_wait3A_6 : memref<4160x768xf32, #tpu.memory_space<hbm>>) dst(%arg6 : memref<64x768xf32, #tpu.memory_space<vmem>>)
    "tpu.region"() ({
      %run_scoped3A = tpu.sem_alloc : memref<!tpu.dma_semaphore, #tpu.memory_space<semaphore_mem>>
      %dma_start3A_7 = arith.constant 0 : i32
      %dma_start3A_8 = tpu.memref_slice %arg4[%mul3A_2, %dma_start3A_7] : memref<2048x768xf32, #tpu.memory_space<hbm>> -> memref<64x768xf32, #tpu.memory_space<hbm>>
      %dma_start3A_9 = arith.constant 0 : i32
      %dma_start3A_10 = tpu.memref_slice %arg4[%mul3A_2, %dma_start3A_9] : memref<2048x768xf32, #tpu.memory_space<hbm>> -> memref<64x768xf32, #tpu.memory_space<hbm>>
      tpu.enqueue_dma source(%arg6 : memref<64x768xf32, #tpu.memory_space<vmem>>) target(%dma_start3A_10 : memref<64x768xf32, #tpu.memory_space<hbm>>) target_semaphore(%run_scoped3A : memref<!tpu.dma_semaphore, #tpu.memory_space<semaphore_mem>>)
      %dma_wait3A_11 = arith.constant 0 : i32
      %dma_wait3A_12 = tpu.memref_slice %arg4[%mul3A_2, %dma_wait3A_11] : memref<2048x768xf32, #tpu.memory_space<hbm>> -> memref<64x768xf32, #tpu.memory_space<hbm>>
      %dma_wait3A_13 = arith.constant 0 : i32
      %dma_wait3A_14 = tpu.memref_slice %arg4[%mul3A_2, %dma_wait3A_13] : memref<2048x768xf32, #tpu.memory_space<hbm>> -> memref<64x768xf32, #tpu.memory_space<hbm>>
      tpu.wait_dma2 semaphore(%run_scoped3A : memref<!tpu.dma_semaphore, #tpu.memory_space<semaphore_mem>>) src(%arg6 : memref<64x768xf32, #tpu.memory_space<vmem>>) dst(%dma_wait3A_14 : memref<64x768xf32, #tpu.memory_space<hbm>>)
      tpu.yield
    }) : () -> ()
    return
  }
}

#map = affine_map<(d0, d1) -> (0, 0)>
#map1 = affine_map<(d0, d1) -> (0)>
module attributes {stable_mosaic.version = 14 : i64} {
  func.func @_dispatch(%arg0: i32, %arg1: i32, %arg2: memref<2048x768xf32, #tpu.memory_space<hbm>>, %arg3: memref<2048xi32, #tpu.memory_space<hbm>>, %arg4: memref<4160x768xf32, #tpu.memory_space<hbm>>, %arg5: memref<64xi32, #tpu.memory_space<vmem>>, %arg6: memref<64x768xf32, #tpu.memory_space<vmem>>, %arg7: memref<!tpu.dma_semaphore, #tpu.memory_space<semaphore_mem>>) attributes {dimension_semantics = [#tpu.dimension_semantics<core_parallel>, #tpu.dimension_semantics<subcore_parallel>], iteration_bounds = array<i64: 2, 16>, scalar_prefetch = 0 : i64, scratch_operands = 3 : i64, tpu.core_type = #tpu.core_type<sc_vector_subcore>, window_params = [{transform_indices = #map}, {transform_indices = #map1}, {transform_indices = #map}]} {
    %mul3A = arith.constant 2 : i32
    %mul3A_0 = arith.muli %arg1, %mul3A : i32
    %add3A = arith.addi %mul3A_0, %arg0 : i32
    %mul3A_1 = arith.constant 64 : i32
    %mul3A_2 = arith.muli %add3A, %mul3A_1 : i32
    "tpu.region"() ({
      %run_scoped3A = tpu.sem_alloc : memref<!tpu.dma_semaphore, #tpu.memory_space<semaphore_mem>>
      %dma_start3A_7 = tpu.memref_slice %arg3[%mul3A_2] : memref<2048xi32, #tpu.memory_space<hbm>> -> memref<64xi32, #tpu.memory_space<hbm>>
      %dma_start3A_8 = tpu.memref_slice %arg3[%mul3A_2] : memref<2048xi32, #tpu.memory_space<hbm>> -> memref<64xi32, #tpu.memory_space<hbm>>
      tpu.enqueue_dma source(%dma_start3A_8 : memref<64xi32, #tpu.memory_space<hbm>>) target(%arg5 : memref<64xi32, #tpu.memory_space<vmem>>) target_semaphore(%run_scoped3A : memref<!tpu.dma_semaphore, #tpu.memory_space<semaphore_mem>>)
      %dma_wait3A_9 = tpu.memref_slice %arg3[%mul3A_2] : memref<2048xi32, #tpu.memory_space<hbm>> -> memref<64xi32, #tpu.memory_space<hbm>>
      %dma_wait3A_10 = tpu.memref_slice %arg3[%mul3A_2] : memref<2048xi32, #tpu.memory_space<hbm>> -> memref<64xi32, #tpu.memory_space<hbm>>
      tpu.wait_dma2 semaphore(%run_scoped3A : memref<!tpu.dma_semaphore, #tpu.memory_space<semaphore_mem>>) src(%dma_wait3A_10 : memref<64xi32, #tpu.memory_space<hbm>>) dst(%arg5 : memref<64xi32, #tpu.memory_space<vmem>>)
      tpu.yield
    }) : () -> ()
    "tpu.region"() ({
      %run_scoped3A = tpu.sem_alloc : memref<!tpu.dma_semaphore, #tpu.memory_space<semaphore_mem>>
      %dma_start3A_7 = arith.constant 0 : i32
      %dma_start3A_8 = tpu.memref_slice %arg2[%mul3A_2, %dma_start3A_7] : memref<2048x768xf32, #tpu.memory_space<hbm>> -> memref<64x768xf32, #tpu.memory_space<hbm>>
      %dma_start3A_9 = arith.constant 0 : i32
      %dma_start3A_10 = tpu.memref_slice %arg2[%mul3A_2, %dma_start3A_9] : memref<2048x768xf32, #tpu.memory_space<hbm>> -> memref<64x768xf32, #tpu.memory_space<hbm>>
      tpu.enqueue_dma source(%dma_start3A_10 : memref<64x768xf32, #tpu.memory_space<hbm>>) target(%arg6 : memref<64x768xf32, #tpu.memory_space<vmem>>) target_semaphore(%run_scoped3A : memref<!tpu.dma_semaphore, #tpu.memory_space<semaphore_mem>>)
      %dma_wait3A_11 = arith.constant 0 : i32
      %dma_wait3A_12 = tpu.memref_slice %arg2[%mul3A_2, %dma_wait3A_11] : memref<2048x768xf32, #tpu.memory_space<hbm>> -> memref<64x768xf32, #tpu.memory_space<hbm>>
      %dma_wait3A_13 = arith.constant 0 : i32
      %dma_wait3A_14 = tpu.memref_slice %arg2[%mul3A_2, %dma_wait3A_13] : memref<2048x768xf32, #tpu.memory_space<hbm>> -> memref<64x768xf32, #tpu.memory_space<hbm>>
      tpu.wait_dma2 semaphore(%run_scoped3A : memref<!tpu.dma_semaphore, #tpu.memory_space<semaphore_mem>>) src(%dma_wait3A_14 : memref<64x768xf32, #tpu.memory_space<hbm>>) dst(%arg6 : memref<64x768xf32, #tpu.memory_space<vmem>>)
      tpu.yield
    }) : () -> ()
    %dma_start3A = arith.constant 0 : i32
    %dma_start3A_3 = arith.constant 0 : i32
    %dma_start3A_4 = tpu.memref_slice %arg4[%dma_start3A, %dma_start3A_3] : memref<4160x768xf32, #tpu.memory_space<hbm>> -> memref<4160x768xf32, #tpu.memory_space<hbm>>
    tpu.enqueue_indirect_dma source(%arg6 : memref<64x768xf32, #tpu.memory_space<vmem>>) target(%dma_start3A_4 : memref<4160x768xf32, #tpu.memory_space<hbm>>) offsets(%arg5 : memref<64xi32, #tpu.memory_space<vmem>>) semaphore(%arg7 : memref<!tpu.dma_semaphore, #tpu.memory_space<semaphore_mem>>)
    %dma_wait3A = arith.constant 0 : i32
    %dma_wait3A_5 = arith.constant 0 : i32
    %dma_wait3A_6 = tpu.memref_slice %arg4[%dma_wait3A, %dma_wait3A_5] : memref<4160x768xf32, #tpu.memory_space<hbm>> -> memref<4160x768xf32, #tpu.memory_space<hbm>>
    tpu.wait_indirect_dma semaphore(%arg7 : memref<!tpu.dma_semaphore, #tpu.memory_space<semaphore_mem>>) src(%arg6 : memref<64x768xf32, #tpu.memory_space<vmem>>) dst(%dma_wait3A_6 : memref<4160x768xf32, #tpu.memory_space<hbm>>)
    return
  }
}

module attributes {stable_mosaic.version = 14 : i64} {
  func.func @_ffn_body(%arg0: i32, %arg1: memref<1xi32, #tpu.memory_space<smem>>, %arg2: memref<320x768xf32, #tpu.memory_space<vmem>>, %arg3: memref<1x768x3072xf32, #tpu.memory_space<vmem>>, %arg4: memref<1x1x3072xf32, #tpu.memory_space<vmem>>, %arg5: memref<1x3072x768xf32, #tpu.memory_space<vmem>>, %arg6: memref<1x1x768xf32, #tpu.memory_space<vmem>>, %arg7: memref<768x3072xf32, #tpu.memory_space<vmem>>, %arg8: memref<1x3072xf32, #tpu.memory_space<vmem>>, %arg9: memref<3072x768xf32, #tpu.memory_space<vmem>>, %arg10: memref<1x768xf32, #tpu.memory_space<vmem>>, %arg11: memref<320x768xf32, #tpu.memory_space<vmem>>) attributes {dimension_semantics = [#tpu.dimension_semantics<arbitrary>], iteration_bounds = array<i64: 13>, scalar_prefetch = 1 : i64, scratch_operands = 0 : i64, tpu.core_type = #tpu.core_type<tc>, window_params = [{transform_indices = @transform_0, window_bounds = array<i64: 320, 768>}, {transform_indices = @transform_1, window_bounds = array<i64: 1, 768, 3072>}, {transform_indices = @transform_2, window_bounds = array<i64: 1, 1, 3072>}, {transform_indices = @transform_3, window_bounds = array<i64: 1, 3072, 768>}, {transform_indices = @transform_4, window_bounds = array<i64: 1, 1, 768>}, {pipeline_mode = #tpu.pipeline_mode<synchronous>, transform_indices = @transform_5, window_bounds = array<i64: 768, 3072>}, {pipeline_mode = #tpu.pipeline_mode<synchronous>, transform_indices = @transform_6, window_bounds = array<i64: 1, 3072>}, {pipeline_mode = #tpu.pipeline_mode<synchronous>, transform_indices = @transform_7, window_bounds = array<i64: 3072, 768>}, {pipeline_mode = #tpu.pipeline_mode<synchronous>, transform_indices = @transform_8, window_bounds = array<i64: 1, 768>}, {transform_indices = @transform_9, window_bounds = array<i64: 320, 768>}]} {
    %get3A = arith.constant 0 : index
    %get3A_0 = arith.constant 0 : index
    %get3A_1 = vector.load %arg2[%get3A, %get3A_0] : memref<320x768xf32, #tpu.memory_space<vmem>>, vector<320x768xf32>
    %lt3A = arith.constant 8 : i32
    %lt3A_2 = arith.cmpi slt, %arg0, %lt3A : i32
    %convert_element_type3A = arith.extui %lt3A_2 : i1 to i32
    %cond3A = arith.constant 0 : i32
    %cond3A_3 = arith.cmpi ne, %convert_element_type3A, %cond3A : i32
    scf.if %cond3A_3 {
      %get3A_13 = arith.constant 0 : index
      %get3A_14 = arith.constant 0 : index
      %get3A_15 = arith.constant 0 : index
      %get3A_16 = vector.load %arg3[%get3A_13, %get3A_14, %get3A_15] : memref<1x768x3072xf32, #tpu.memory_space<vmem>>, vector<1x768x3072xf32>
      %get3A_17 = vector.shape_cast %get3A_16 : vector<1x768x3072xf32> to vector<768x3072xf32>
      %get3A_18 = arith.constant 0 : index
      %get3A_19 = arith.constant 0 : index
      %get3A_20 = arith.constant 0 : index
      %get3A_21 = vector.load %arg4[%get3A_18, %get3A_19, %get3A_20] : memref<1x1x3072xf32, #tpu.memory_space<vmem>>, vector<1x1x3072xf32>
      %get3A_22 = vector.shape_cast %get3A_21 : vector<1x1x3072xf32> to vector<1x3072xf32>
      %get3A_23 = arith.constant 0 : index
      %get3A_24 = arith.constant 0 : index
      %get3A_25 = arith.constant 0 : index
      %get3A_26 = vector.load %arg5[%get3A_23, %get3A_24, %get3A_25] : memref<1x3072x768xf32, #tpu.memory_space<vmem>>, vector<1x3072x768xf32>
      %get3A_27 = vector.shape_cast %get3A_26 : vector<1x3072x768xf32> to vector<3072x768xf32>
      %get3A_28 = arith.constant 0 : index
      %get3A_29 = arith.constant 0 : index
      %get3A_30 = arith.constant 0 : index
      %get3A_31 = vector.load %arg6[%get3A_28, %get3A_29, %get3A_30] : memref<1x1x768xf32, #tpu.memory_space<vmem>>, vector<1x1x768xf32>
      %get3A_32 = vector.shape_cast %get3A_31 : vector<1x1x768xf32> to vector<1x768xf32>
      %broadcast_in_dim3A = vector.shape_cast %get3A_32 : vector<1x768xf32> to vector<1x768xf32>
      %broadcast_in_dim3A_33 = vector.broadcast %broadcast_in_dim3A : vector<1x768xf32> to vector<320x768xf32>
      %slice3A = vector.extract_strided_slice %get3A_17 {offsets = [0, 0], sizes = [768, 768], strides = [1, 1]} : vector<768x3072xf32> to vector<768x768xf32>
      %dot_general3A = arith.constant dense<0.000000e+00> : vector<320x768xf32>
      %dot_general3A_34 = tpu.matmul %get3A_1, %slice3A, %dot_general3A {dimension_numbers = #tpu.dot_dimension_numbers<[1], [0], [0], [1], [0, 0, 1, 1], [], []>, transpose_lhs_hint = false} : vector<320x768xf32>, vector<768x768xf32>, vector<320x768xf32> -> vector<320x768xf32>
      %slice3A_35 = vector.extract_strided_slice %get3A_22 {offsets = [0, 0], sizes = [1, 768], strides = [1, 1]} : vector<1x3072xf32> to vector<1x768xf32>
      %add3A = vector.broadcast %slice3A_35 : vector<1x768xf32> to vector<320x768xf32>
      %add3A_36 = arith.addf %dot_general3A_34, %add3A : vector<320x768xf32>
      %mul3A_37 = arith.constant 5.000000e-01 : f32
      %mul3A_38 = vector.broadcast %mul3A_37 : f32 to vector<320x768xf32>
      %mul3A_39 = arith.mulf %mul3A_38, %add3A_36 : vector<320x768xf32>
      %mul3A_40 = arith.constant 4.471500e-02 : f32
      %mul3A_41 = vector.broadcast %mul3A_40 : f32 to vector<320x768xf32>
      %mul3A_42 = arith.mulf %mul3A_41, %add3A_36 : vector<320x768xf32>
      %mul3A_43 = arith.mulf %mul3A_42, %add3A_36 : vector<320x768xf32>
      %mul3A_44 = arith.mulf %mul3A_43, %add3A_36 : vector<320x768xf32>
      %add3A_45 = arith.addf %add3A_36, %mul3A_44 : vector<320x768xf32>
      %mul3A_46 = arith.constant 0.797884583 : f32
      %mul3A_47 = vector.broadcast %mul3A_46 : f32 to vector<320x768xf32>
      %mul3A_48 = arith.mulf %mul3A_47, %add3A_45 : vector<320x768xf32>
      %tanh3A = math.tanh %mul3A_48 : vector<320x768xf32>
      %add3A_49 = arith.constant 1.000000e+00 : f32
      %add3A_50 = vector.broadcast %add3A_49 : f32 to vector<320x768xf32>
      %add3A_51 = arith.addf %add3A_50, %tanh3A : vector<320x768xf32>
      %mul3A_52 = arith.mulf %mul3A_39, %add3A_51 : vector<320x768xf32>
      %slice3A_53 = vector.extract_strided_slice %get3A_27 {offsets = [0, 0], sizes = [768, 768], strides = [1, 1]} : vector<3072x768xf32> to vector<768x768xf32>
      %dot_general3A_54 = arith.constant dense<0.000000e+00> : vector<320x768xf32>
      %dot_general3A_55 = tpu.matmul %mul3A_52, %slice3A_53, %dot_general3A_54 {dimension_numbers = #tpu.dot_dimension_numbers<[1], [0], [0], [1], [0, 0, 1, 1], [], []>, transpose_lhs_hint = false} : vector<320x768xf32>, vector<768x768xf32>, vector<320x768xf32> -> vector<320x768xf32>
      %add3A_56 = arith.addf %broadcast_in_dim3A_33, %dot_general3A_55 : vector<320x768xf32>
      %slice3A_57 = vector.extract_strided_slice %get3A_17 {offsets = [0, 768], sizes = [768, 768], strides = [1, 1]} : vector<768x3072xf32> to vector<768x768xf32>
      %dot_general3A_58 = arith.constant dense<0.000000e+00> : vector<320x768xf32>
      %dot_general3A_59 = tpu.matmul %get3A_1, %slice3A_57, %dot_general3A_58 {dimension_numbers = #tpu.dot_dimension_numbers<[1], [0], [0], [1], [0, 0, 1, 1], [], []>, transpose_lhs_hint = false} : vector<320x768xf32>, vector<768x768xf32>, vector<320x768xf32> -> vector<320x768xf32>
      %slice3A_60 = vector.extract_strided_slice %get3A_22 {offsets = [0, 768], sizes = [1, 768], strides = [1, 1]} : vector<1x3072xf32> to vector<1x768xf32>
      %add3A_61 = vector.broadcast %slice3A_60 : vector<1x768xf32> to vector<320x768xf32>
      %add3A_62 = arith.addf %dot_general3A_59, %add3A_61 : vector<320x768xf32>
      %mul3A_63 = arith.constant 5.000000e-01 : f32
      %mul3A_64 = vector.broadcast %mul3A_63 : f32 to vector<320x768xf32>
      %mul3A_65 = arith.mulf %mul3A_64, %add3A_62 : vector<320x768xf32>
      %mul3A_66 = arith.constant 4.471500e-02 : f32
      %mul3A_67 = vector.broadcast %mul3A_66 : f32 to vector<320x768xf32>
      %mul3A_68 = arith.mulf %mul3A_67, %add3A_62 : vector<320x768xf32>
      %mul3A_69 = arith.mulf %mul3A_68, %add3A_62 : vector<320x768xf32>
      %mul3A_70 = arith.mulf %mul3A_69, %add3A_62 : vector<320x768xf32>
      %add3A_71 = arith.addf %add3A_62, %mul3A_70 : vector<320x768xf32>
      %mul3A_72 = arith.constant 0.797884583 : f32
      %mul3A_73 = vector.broadcast %mul3A_72 : f32 to vector<320x768xf32>
      %mul3A_74 = arith.mulf %mul3A_73, %add3A_71 : vector<320x768xf32>
      %tanh3A_75 = math.tanh %mul3A_74 : vector<320x768xf32>
      %add3A_76 = arith.constant 1.000000e+00 : f32
      %add3A_77 = vector.broadcast %add3A_76 : f32 to vector<320x768xf32>
      %add3A_78 = arith.addf %add3A_77, %tanh3A_75 : vector<320x768xf32>
      %mul3A_79 = arith.mulf %mul3A_65, %add3A_78 : vector<320x768xf32>
      %slice3A_80 = vector.extract_strided_slice %get3A_27 {offsets = [768, 0], sizes = [768, 768], strides = [1, 1]} : vector<3072x768xf32> to vector<768x768xf32>
      %dot_general3A_81 = arith.constant dense<0.000000e+00> : vector<320x768xf32>
      %dot_general3A_82 = tpu.matmul %mul3A_79, %slice3A_80, %dot_general3A_81 {dimension_numbers = #tpu.dot_dimension_numbers<[1], [0], [0], [1], [0, 0, 1, 1], [], []>, transpose_lhs_hint = false} : vector<320x768xf32>, vector<768x768xf32>, vector<320x768xf32> -> vector<320x768xf32>
      %add3A_83 = arith.addf %add3A_56, %dot_general3A_82 : vector<320x768xf32>
      %slice3A_84 = vector.extract_strided_slice %get3A_17 {offsets = [0, 1536], sizes = [768, 768], strides = [1, 1]} : vector<768x3072xf32> to vector<768x768xf32>
      %dot_general3A_85 = arith.constant dense<0.000000e+00> : vector<320x768xf32>
      %dot_general3A_86 = tpu.matmul %get3A_1, %slice3A_84, %dot_general3A_85 {dimension_numbers = #tpu.dot_dimension_numbers<[1], [0], [0], [1], [0, 0, 1, 1], [], []>, transpose_lhs_hint = false} : vector<320x768xf32>, vector<768x768xf32>, vector<320x768xf32> -> vector<320x768xf32>
      %slice3A_87 = vector.extract_strided_slice %get3A_22 {offsets = [0, 1536], sizes = [1, 768], strides = [1, 1]} : vector<1x3072xf32> to vector<1x768xf32>
      %add3A_88 = vector.broadcast %slice3A_87 : vector<1x768xf32> to vector<320x768xf32>
      %add3A_89 = arith.addf %dot_general3A_86, %add3A_88 : vector<320x768xf32>
      %mul3A_90 = arith.constant 5.000000e-01 : f32
      %mul3A_91 = vector.broadcast %mul3A_90 : f32 to vector<320x768xf32>
      %mul3A_92 = arith.mulf %mul3A_91, %add3A_89 : vector<320x768xf32>
      %mul3A_93 = arith.constant 4.471500e-02 : f32
      %mul3A_94 = vector.broadcast %mul3A_93 : f32 to vector<320x768xf32>
      %mul3A_95 = arith.mulf %mul3A_94, %add3A_89 : vector<320x768xf32>
      %mul3A_96 = arith.mulf %mul3A_95, %add3A_89 : vector<320x768xf32>
      %mul3A_97 = arith.mulf %mul3A_96, %add3A_89 : vector<320x768xf32>
      %add3A_98 = arith.addf %add3A_89, %mul3A_97 : vector<320x768xf32>
      %mul3A_99 = arith.constant 0.797884583 : f32
      %mul3A_100 = vector.broadcast %mul3A_99 : f32 to vector<320x768xf32>
      %mul3A_101 = arith.mulf %mul3A_100, %add3A_98 : vector<320x768xf32>
      %tanh3A_102 = math.tanh %mul3A_101 : vector<320x768xf32>
      %add3A_103 = arith.constant 1.000000e+00 : f32
      %add3A_104 = vector.broadcast %add3A_103 : f32 to vector<320x768xf32>
      %add3A_105 = arith.addf %add3A_104, %tanh3A_102 : vector<320x768xf32>
      %mul3A_106 = arith.mulf %mul3A_92, %add3A_105 : vector<320x768xf32>
      %slice3A_107 = vector.extract_strided_slice %get3A_27 {offsets = [1536, 0], sizes = [768, 768], strides = [1, 1]} : vector<3072x768xf32> to vector<768x768xf32>
      %dot_general3A_108 = arith.constant dense<0.000000e+00> : vector<320x768xf32>
      %dot_general3A_109 = tpu.matmul %mul3A_106, %slice3A_107, %dot_general3A_108 {dimension_numbers = #tpu.dot_dimension_numbers<[1], [0], [0], [1], [0, 0, 1, 1], [], []>, transpose_lhs_hint = false} : vector<320x768xf32>, vector<768x768xf32>, vector<320x768xf32> -> vector<320x768xf32>
      %add3A_110 = arith.addf %add3A_83, %dot_general3A_109 : vector<320x768xf32>
      %slice3A_111 = vector.extract_strided_slice %get3A_17 {offsets = [0, 2304], sizes = [768, 768], strides = [1, 1]} : vector<768x3072xf32> to vector<768x768xf32>
      %dot_general3A_112 = arith.constant dense<0.000000e+00> : vector<320x768xf32>
      %dot_general3A_113 = tpu.matmul %get3A_1, %slice3A_111, %dot_general3A_112 {dimension_numbers = #tpu.dot_dimension_numbers<[1], [0], [0], [1], [0, 0, 1, 1], [], []>, transpose_lhs_hint = false} : vector<320x768xf32>, vector<768x768xf32>, vector<320x768xf32> -> vector<320x768xf32>
      %slice3A_114 = vector.extract_strided_slice %get3A_22 {offsets = [0, 2304], sizes = [1, 768], strides = [1, 1]} : vector<1x3072xf32> to vector<1x768xf32>
      %add3A_115 = vector.broadcast %slice3A_114 : vector<1x768xf32> to vector<320x768xf32>
      %add3A_116 = arith.addf %dot_general3A_113, %add3A_115 : vector<320x768xf32>
      %mul3A_117 = arith.constant 5.000000e-01 : f32
      %mul3A_118 = vector.broadcast %mul3A_117 : f32 to vector<320x768xf32>
      %mul3A_119 = arith.mulf %mul3A_118, %add3A_116 : vector<320x768xf32>
      %mul3A_120 = arith.constant 4.471500e-02 : f32
      %mul3A_121 = vector.broadcast %mul3A_120 : f32 to vector<320x768xf32>
      %mul3A_122 = arith.mulf %mul3A_121, %add3A_116 : vector<320x768xf32>
      %mul3A_123 = arith.mulf %mul3A_122, %add3A_116 : vector<320x768xf32>
      %mul3A_124 = arith.mulf %mul3A_123, %add3A_116 : vector<320x768xf32>
      %add3A_125 = arith.addf %add3A_116, %mul3A_124 : vector<320x768xf32>
      %mul3A_126 = arith.constant 0.797884583 : f32
      %mul3A_127 = vector.broadcast %mul3A_126 : f32 to vector<320x768xf32>
      %mul3A_128 = arith.mulf %mul3A_127, %add3A_125 : vector<320x768xf32>
      %tanh3A_129 = math.tanh %mul3A_128 : vector<320x768xf32>
      %add3A_130 = arith.constant 1.000000e+00 : f32
      %add3A_131 = vector.broadcast %add3A_130 : f32 to vector<320x768xf32>
      %add3A_132 = arith.addf %add3A_131, %tanh3A_129 : vector<320x768xf32>
      %mul3A_133 = arith.mulf %mul3A_119, %add3A_132 : vector<320x768xf32>
      %slice3A_134 = vector.extract_strided_slice %get3A_27 {offsets = [2304, 0], sizes = [768, 768], strides = [1, 1]} : vector<3072x768xf32> to vector<768x768xf32>
      %dot_general3A_135 = arith.constant dense<0.000000e+00> : vector<320x768xf32>
      %dot_general3A_136 = tpu.matmul %mul3A_133, %slice3A_134, %dot_general3A_135 {dimension_numbers = #tpu.dot_dimension_numbers<[1], [0], [0], [1], [0, 0, 1, 1], [], []>, transpose_lhs_hint = false} : vector<320x768xf32>, vector<768x768xf32>, vector<320x768xf32> -> vector<320x768xf32>
      %add3A_137 = arith.addf %add3A_110, %dot_general3A_136 : vector<320x768xf32>
      %swap3A = arith.constant 0 : index
      %swap3A_138 = arith.constant 0 : index
      %swap3A_139 = vector.load %arg11[%swap3A, %swap3A_138] : memref<320x768xf32, #tpu.memory_space<vmem>>, vector<320x768xf32>
      tpu.vector_store %arg11[%swap3A, %swap3A_138], %add3A_137 {strides = array<i32>} : memref<320x768xf32, #tpu.memory_space<vmem>>, vector<320x768xf32>,
    } else {
    }
    %ge3A = arith.constant 8 : i32
    %ge3A_4 = arith.cmpi sge, %arg0, %ge3A : i32
    %sub3A = arith.constant 8 : i32
    %sub3A_5 = arith.subi %arg0, %sub3A : i32
    %mul3A = arith.constant 320 : i32
    %mul3A_6 = arith.muli %sub3A_5, %mul3A : i32
    %get3A_7 = arith.constant 0 : index
    %get3A_8 = memref.load %arg1[%get3A_7] : memref<1xi32, #tpu.memory_space<smem>>
    %lt3A_9 = arith.cmpi slt, %mul3A_6, %get3A_8 : i32
    %and3A = arith.andi %ge3A_4, %lt3A_9 : i1
    %convert_element_type3A_10 = arith.extui %and3A : i1 to i32
    %cond3A_11 = arith.constant 0 : i32
    %cond3A_12 = arith.cmpi ne, %convert_element_type3A_10, %cond3A_11 : i32
    scf.if %cond3A_12 {
      %get3A_13 = arith.constant 0 : index
      %get3A_14 = arith.constant 0 : index
      %get3A_15 = vector.load %arg7[%get3A_13, %get3A_14] : memref<768x3072xf32, #tpu.memory_space<vmem>>, vector<768x3072xf32>
      %get3A_16 = arith.constant 0 : index
      %get3A_17 = arith.constant 0 : index
      %get3A_18 = vector.load %arg8[%get3A_16, %get3A_17] : memref<1x3072xf32, #tpu.memory_space<vmem>>, vector<1x3072xf32>
      %get3A_19 = arith.constant 0 : index
      %get3A_20 = arith.constant 0 : index
      %get3A_21 = vector.load %arg9[%get3A_19, %get3A_20] : memref<3072x768xf32, #tpu.memory_space<vmem>>, vector<3072x768xf32>
      %get3A_22 = arith.constant 0 : index
      %get3A_23 = arith.constant 0 : index
      %get3A_24 = vector.load %arg10[%get3A_22, %get3A_23] : memref<1x768xf32, #tpu.memory_space<vmem>>, vector<1x768xf32>
      %broadcast_in_dim3A = vector.shape_cast %get3A_24 : vector<1x768xf32> to vector<1x768xf32>
      %broadcast_in_dim3A_25 = vector.broadcast %broadcast_in_dim3A : vector<1x768xf32> to vector<320x768xf32>
      %slice3A = vector.extract_strided_slice %get3A_15 {offsets = [0, 0], sizes = [768, 768], strides = [1, 1]} : vector<768x3072xf32> to vector<768x768xf32>
      %dot_general3A = arith.constant dense<0.000000e+00> : vector<320x768xf32>
      %dot_general3A_26 = tpu.matmul %get3A_1, %slice3A, %dot_general3A {dimension_numbers = #tpu.dot_dimension_numbers<[1], [0], [0], [1], [0, 0, 1, 1], [], []>, transpose_lhs_hint = false} : vector<320x768xf32>, vector<768x768xf32>, vector<320x768xf32> -> vector<320x768xf32>
      %slice3A_27 = vector.extract_strided_slice %get3A_18 {offsets = [0, 0], sizes = [1, 768], strides = [1, 1]} : vector<1x3072xf32> to vector<1x768xf32>
      %add3A = vector.broadcast %slice3A_27 : vector<1x768xf32> to vector<320x768xf32>
      %add3A_28 = arith.addf %dot_general3A_26, %add3A : vector<320x768xf32>
      %mul3A_29 = arith.constant 5.000000e-01 : f32
      %mul3A_30 = vector.broadcast %mul3A_29 : f32 to vector<320x768xf32>
      %mul3A_31 = arith.mulf %mul3A_30, %add3A_28 : vector<320x768xf32>
      %mul3A_32 = arith.constant 4.471500e-02 : f32
      %mul3A_33 = vector.broadcast %mul3A_32 : f32 to vector<320x768xf32>
      %mul3A_34 = arith.mulf %mul3A_33, %add3A_28 : vector<320x768xf32>
      %mul3A_35 = arith.mulf %mul3A_34, %add3A_28 : vector<320x768xf32>
      %mul3A_36 = arith.mulf %mul3A_35, %add3A_28 : vector<320x768xf32>
      %add3A_37 = arith.addf %add3A_28, %mul3A_36 : vector<320x768xf32>
      %mul3A_38 = arith.constant 0.797884583 : f32
      %mul3A_39 = vector.broadcast %mul3A_38 : f32 to vector<320x768xf32>
      %mul3A_40 = arith.mulf %mul3A_39, %add3A_37 : vector<320x768xf32>
      %tanh3A = math.tanh %mul3A_40 : vector<320x768xf32>
      %add3A_41 = arith.constant 1.000000e+00 : f32
      %add3A_42 = vector.broadcast %add3A_41 : f32 to vector<320x768xf32>
      %add3A_43 = arith.addf %add3A_42, %tanh3A : vector<320x768xf32>
      %mul3A_44 = arith.mulf %mul3A_31, %add3A_43 : vector<320x768xf32>
      %slice3A_45 = vector.extract_strided_slice %get3A_21 {offsets = [0, 0], sizes = [768, 768], strides = [1, 1]} : vector<3072x768xf32> to vector<768x768xf32>
      %dot_general3A_46 = arith.constant dense<0.000000e+00> : vector<320x768xf32>
      %dot_general3A_47 = tpu.matmul %mul3A_44, %slice3A_45, %dot_general3A_46 {dimension_numbers = #tpu.dot_dimension_numbers<[1], [0], [0], [1], [0, 0, 1, 1], [], []>, transpose_lhs_hint = false} : vector<320x768xf32>, vector<768x768xf32>, vector<320x768xf32> -> vector<320x768xf32>
      %add3A_48 = arith.addf %broadcast_in_dim3A_25, %dot_general3A_47 : vector<320x768xf32>
      %slice3A_49 = vector.extract_strided_slice %get3A_15 {offsets = [0, 768], sizes = [768, 768], strides = [1, 1]} : vector<768x3072xf32> to vector<768x768xf32>
      %dot_general3A_50 = arith.constant dense<0.000000e+00> : vector<320x768xf32>
      %dot_general3A_51 = tpu.matmul %get3A_1, %slice3A_49, %dot_general3A_50 {dimension_numbers = #tpu.dot_dimension_numbers<[1], [0], [0], [1], [0, 0, 1, 1], [], []>, transpose_lhs_hint = false} : vector<320x768xf32>, vector<768x768xf32>, vector<320x768xf32> -> vector<320x768xf32>
      %slice3A_52 = vector.extract_strided_slice %get3A_18 {offsets = [0, 768], sizes = [1, 768], strides = [1, 1]} : vector<1x3072xf32> to vector<1x768xf32>
      %add3A_53 = vector.broadcast %slice3A_52 : vector<1x768xf32> to vector<320x768xf32>
      %add3A_54 = arith.addf %dot_general3A_51, %add3A_53 : vector<320x768xf32>
      %mul3A_55 = arith.constant 5.000000e-01 : f32
      %mul3A_56 = vector.broadcast %mul3A_55 : f32 to vector<320x768xf32>
      %mul3A_57 = arith.mulf %mul3A_56, %add3A_54 : vector<320x768xf32>
      %mul3A_58 = arith.constant 4.471500e-02 : f32
      %mul3A_59 = vector.broadcast %mul3A_58 : f32 to vector<320x768xf32>
      %mul3A_60 = arith.mulf %mul3A_59, %add3A_54 : vector<320x768xf32>
      %mul3A_61 = arith.mulf %mul3A_60, %add3A_54 : vector<320x768xf32>
      %mul3A_62 = arith.mulf %mul3A_61, %add3A_54 : vector<320x768xf32>
      %add3A_63 = arith.addf %add3A_54, %mul3A_62 : vector<320x768xf32>
      %mul3A_64 = arith.constant 0.797884583 : f32
      %mul3A_65 = vector.broadcast %mul3A_64 : f32 to vector<320x768xf32>
      %mul3A_66 = arith.mulf %mul3A_65, %add3A_63 : vector<320x768xf32>
      %tanh3A_67 = math.tanh %mul3A_66 : vector<320x768xf32>
      %add3A_68 = arith.constant 1.000000e+00 : f32
      %add3A_69 = vector.broadcast %add3A_68 : f32 to vector<320x768xf32>
      %add3A_70 = arith.addf %add3A_69, %tanh3A_67 : vector<320x768xf32>
      %mul3A_71 = arith.mulf %mul3A_57, %add3A_70 : vector<320x768xf32>
      %slice3A_72 = vector.extract_strided_slice %get3A_21 {offsets = [768, 0], sizes = [768, 768], strides = [1, 1]} : vector<3072x768xf32> to vector<768x768xf32>
      %dot_general3A_73 = arith.constant dense<0.000000e+00> : vector<320x768xf32>
      %dot_general3A_74 = tpu.matmul %mul3A_71, %slice3A_72, %dot_general3A_73 {dimension_numbers = #tpu.dot_dimension_numbers<[1], [0], [0], [1], [0, 0, 1, 1], [], []>, transpose_lhs_hint = false} : vector<320x768xf32>, vector<768x768xf32>, vector<320x768xf32> -> vector<320x768xf32>
      %add3A_75 = arith.addf %add3A_48, %dot_general3A_74 : vector<320x768xf32>
      %slice3A_76 = vector.extract_strided_slice %get3A_15 {offsets = [0, 1536], sizes = [768, 768], strides = [1, 1]} : vector<768x3072xf32> to vector<768x768xf32>
      %dot_general3A_77 = arith.constant dense<0.000000e+00> : vector<320x768xf32>
      %dot_general3A_78 = tpu.matmul %get3A_1, %slice3A_76, %dot_general3A_77 {dimension_numbers = #tpu.dot_dimension_numbers<[1], [0], [0], [1], [0, 0, 1, 1], [], []>, transpose_lhs_hint = false} : vector<320x768xf32>, vector<768x768xf32>, vector<320x768xf32> -> vector<320x768xf32>
      %slice3A_79 = vector.extract_strided_slice %get3A_18 {offsets = [0, 1536], sizes = [1, 768], strides = [1, 1]} : vector<1x3072xf32> to vector<1x768xf32>
      %add3A_80 = vector.broadcast %slice3A_79 : vector<1x768xf32> to vector<320x768xf32>
      %add3A_81 = arith.addf %dot_general3A_78, %add3A_80 : vector<320x768xf32>
      %mul3A_82 = arith.constant 5.000000e-01 : f32
      %mul3A_83 = vector.broadcast %mul3A_82 : f32 to vector<320x768xf32>
      %mul3A_84 = arith.mulf %mul3A_83, %add3A_81 : vector<320x768xf32>
      %mul3A_85 = arith.constant 4.471500e-02 : f32
      %mul3A_86 = vector.broadcast %mul3A_85 : f32 to vector<320x768xf32>
      %mul3A_87 = arith.mulf %mul3A_86, %add3A_81 : vector<320x768xf32>
      %mul3A_88 = arith.mulf %mul3A_87, %add3A_81 : vector<320x768xf32>
      %mul3A_89 = arith.mulf %mul3A_88, %add3A_81 : vector<320x768xf32>
      %add3A_90 = arith.addf %add3A_81, %mul3A_89 : vector<320x768xf32>
      %mul3A_91 = arith.constant 0.797884583 : f32
      %mul3A_92 = vector.broadcast %mul3A_91 : f32 to vector<320x768xf32>
      %mul3A_93 = arith.mulf %mul3A_92, %add3A_90 : vector<320x768xf32>
      %tanh3A_94 = math.tanh %mul3A_93 : vector<320x768xf32>
      %add3A_95 = arith.constant 1.000000e+00 : f32
      %add3A_96 = vector.broadcast %add3A_95 : f32 to vector<320x768xf32>
      %add3A_97 = arith.addf %add3A_96, %tanh3A_94 : vector<320x768xf32>
      %mul3A_98 = arith.mulf %mul3A_84, %add3A_97 : vector<320x768xf32>
      %slice3A_99 = vector.extract_strided_slice %get3A_21 {offsets = [1536, 0], sizes = [768, 768], strides = [1, 1]} : vector<3072x768xf32> to vector<768x768xf32>
      %dot_general3A_100 = arith.constant dense<0.000000e+00> : vector<320x768xf32>
      %dot_general3A_101 = tpu.matmul %mul3A_98, %slice3A_99, %dot_general3A_100 {dimension_numbers = #tpu.dot_dimension_numbers<[1], [0], [0], [1], [0, 0, 1, 1], [], []>, transpose_lhs_hint = false} : vector<320x768xf32>, vector<768x768xf32>, vector<320x768xf32> -> vector<320x768xf32>
      %add3A_102 = arith.addf %add3A_75, %dot_general3A_101 : vector<320x768xf32>
      %slice3A_103 = vector.extract_strided_slice %get3A_15 {offsets = [0, 2304], sizes = [768, 768], strides = [1, 1]} : vector<768x3072xf32> to vector<768x768xf32>
      %dot_general3A_104 = arith.constant dense<0.000000e+00> : vector<320x768xf32>
      %dot_general3A_105 = tpu.matmul %get3A_1, %slice3A_103, %dot_general3A_104 {dimension_numbers = #tpu.dot_dimension_numbers<[1], [0], [0], [1], [0, 0, 1, 1], [], []>, transpose_lhs_hint = false} : vector<320x768xf32>, vector<768x768xf32>, vector<320x768xf32> -> vector<320x768xf32>
      %slice3A_106 = vector.extract_strided_slice %get3A_18 {offsets = [0, 2304], sizes = [1, 768], strides = [1, 1]} : vector<1x3072xf32> to vector<1x768xf32>
      %add3A_107 = vector.broadcast %slice3A_106 : vector<1x768xf32> to vector<320x768xf32>
      %add3A_108 = arith.addf %dot_general3A_105, %add3A_107 : vector<320x768xf32>
      %mul3A_109 = arith.constant 5.000000e-01 : f32
      %mul3A_110 = vector.broadcast %mul3A_109 : f32 to vector<320x768xf32>
      %mul3A_111 = arith.mulf %mul3A_110, %add3A_108 : vector<320x768xf32>
      %mul3A_112 = arith.constant 4.471500e-02 : f32
      %mul3A_113 = vector.broadcast %mul3A_112 : f32 to vector<320x768xf32>
      %mul3A_114 = arith.mulf %mul3A_113, %add3A_108 : vector<320x768xf32>
      %mul3A_115 = arith.mulf %mul3A_114, %add3A_108 : vector<320x768xf32>
      %mul3A_116 = arith.mulf %mul3A_115, %add3A_108 : vector<320x768xf32>
      %add3A_117 = arith.addf %add3A_108, %mul3A_116 : vector<320x768xf32>
      %mul3A_118 = arith.constant 0.797884583 : f32
      %mul3A_119 = vector.broadcast %mul3A_118 : f32 to vector<320x768xf32>
      %mul3A_120 = arith.mulf %mul3A_119, %add3A_117 : vector<320x768xf32>
      %tanh3A_121 = math.tanh %mul3A_120 : vector<320x768xf32>
      %add3A_122 = arith.constant 1.000000e+00 : f32
      %add3A_123 = vector.broadcast %add3A_122 : f32 to vector<320x768xf32>
      %add3A_124 = arith.addf %add3A_123, %tanh3A_121 : vector<320x768xf32>
      %mul3A_125 = arith.mulf %mul3A_111, %add3A_124 : vector<320x768xf32>
      %slice3A_126 = vector.extract_strided_slice %get3A_21 {offsets = [2304, 0], sizes = [768, 768], strides = [1, 1]} : vector<3072x768xf32> to vector<768x768xf32>
      %dot_general3A_127 = arith.constant dense<0.000000e+00> : vector<320x768xf32>
      %dot_general3A_128 = tpu.matmul %mul3A_125, %slice3A_126, %dot_general3A_127 {dimension_numbers = #tpu.dot_dimension_numbers<[1], [0], [0], [1], [0, 0, 1, 1], [], []>, transpose_lhs_hint = false} : vector<320x768xf32>, vector<768x768xf32>, vector<320x768xf32> -> vector<320x768xf32>
      %add3A_129 = arith.addf %add3A_102, %dot_general3A_128 : vector<320x768xf32>
      %swap3A = arith.constant 0 : index
      %swap3A_130 = arith.constant 0 : index
      %swap3A_131 = vector.load %arg11[%swap3A, %swap3A_130] : memref<320x768xf32, #tpu.memory_space<vmem>>, vector<320x768xf32>
      tpu.vector_store %arg11[%swap3A, %swap3A_130], %add3A_129 {strides = array<i32>} : memref<320x768xf32, #tpu.memory_space<vmem>>, vector<320x768xf32>,
    } else {
    }
    return
  }
  func.func @transform_0(%arg0: i32, %arg1: memref<1xi32, #tpu.memory_space<smem>>) -> (i32, i32) {
    %c0_i32 = arith.constant 0 : i32
    %c0_i32_0 = arith.constant 0 : i32
    return %arg0, %c0_i32 : i32, i32
  }
  func.func @transform_1(%arg0: i32, %arg1: memref<1xi32, #tpu.memory_space<smem>>) -> (i32, i32, i32) {
    %min3A = arith.constant 7 : i32
    %min3A_0 = arith.minsi %arg0, %min3A : i32
    %c0_i32 = arith.constant 0 : i32
    %c0_i32_1 = arith.constant 0 : i32
    %c0_i32_2 = arith.constant 0 : i32
    return %min3A_0, %c0_i32, %c0_i32_1 : i32, i32, i32
  }
  func.func @transform_2(%arg0: i32, %arg1: memref<1xi32, #tpu.memory_space<smem>>) -> (i32, i32, i32) {
    %min3A = arith.constant 7 : i32
    %min3A_0 = arith.minsi %arg0, %min3A : i32
    %c0_i32 = arith.constant 0 : i32
    %c0_i32_1 = arith.constant 0 : i32
    %c0_i32_2 = arith.constant 0 : i32
    return %min3A_0, %c0_i32, %c0_i32_1 : i32, i32, i32
  }
  func.func @transform_3(%arg0: i32, %arg1: memref<1xi32, #tpu.memory_space<smem>>) -> (i32, i32, i32) {
    %min3A = arith.constant 7 : i32
    %min3A_0 = arith.minsi %arg0, %min3A : i32
    %c0_i32 = arith.constant 0 : i32
    %c0_i32_1 = arith.constant 0 : i32
    %c0_i32_2 = arith.constant 0 : i32
    return %min3A_0, %c0_i32, %c0_i32_1 : i32, i32, i32
  }
  func.func @transform_4(%arg0: i32, %arg1: memref<1xi32, #tpu.memory_space<smem>>) -> (i32, i32, i32) {
    %min3A = arith.constant 7 : i32
    %min3A_0 = arith.minsi %arg0, %min3A : i32
    %c0_i32 = arith.constant 0 : i32
    %c0_i32_1 = arith.constant 0 : i32
    %c0_i32_2 = arith.constant 0 : i32
    return %min3A_0, %c0_i32, %c0_i32_1 : i32, i32, i32
  }
  func.func @transform_5(%arg0: i32, %arg1: memref<1xi32, #tpu.memory_space<smem>>) -> (i32, i32) {
    %c0_i32 = arith.constant 0 : i32
    %c0_i32_0 = arith.constant 0 : i32
    %c0_i32_1 = arith.constant 0 : i32
    return %c0_i32, %c0_i32_0 : i32, i32
  }
  func.func @transform_6(%arg0: i32, %arg1: memref<1xi32, #tpu.memory_space<smem>>) -> (i32, i32) {
    %c0_i32 = arith.constant 0 : i32
    %c0_i32_0 = arith.constant 0 : i32
    %c0_i32_1 = arith.constant 0 : i32
    return %c0_i32, %c0_i32_0 : i32, i32
  }
  func.func @transform_7(%arg0: i32, %arg1: memref<1xi32, #tpu.memory_space<smem>>) -> (i32, i32) {
    %c0_i32 = arith.constant 0 : i32
    %c0_i32_0 = arith.constant 0 : i32
    %c0_i32_1 = arith.constant 0 : i32
    return %c0_i32, %c0_i32_0 : i32, i32
  }
  func.func @transform_8(%arg0: i32, %arg1: memref<1xi32, #tpu.memory_space<smem>>) -> (i32, i32) {
    %c0_i32 = arith.constant 0 : i32
    %c0_i32_0 = arith.constant 0 : i32
    %c0_i32_1 = arith.constant 0 : i32
    return %c0_i32, %c0_i32_0 : i32, i32
  }
  func.func @transform_9(%arg0: i32, %arg1: memref<1xi32, #tpu.memory_space<smem>>) -> (i32, i32) {
    %c0_i32 = arith.constant 0 : i32
    %c0_i32_0 = arith.constant 0 : i32
    return %arg0, %c0_i32 : i32, i32
  }
}

module attributes {stable_mosaic.version = 14 : i64} {
  func.func @_router_body(%arg0: memref<2048x768xf32, #tpu.memory_space<vmem>>, %arg1: memref<768x8xf32, #tpu.memory_space<vmem>>, %arg2: memref<1x8xf32, #tpu.memory_space<vmem>>, %arg3: memref<2048x8xf32, #tpu.memory_space<vmem>>, %arg4: memref<2048x8xf32, #tpu.memory_space<vmem>>, %arg5: memref<2048x2xi32, #tpu.memory_space<vmem>>, %arg6: memref<2048x1xi32, #tpu.memory_space<vmem>>, %arg7: memref<1x1xi32, #tpu.memory_space<vmem>>, %arg8: memref<1x8xf32, #tpu.memory_space<vmem>>, %arg9: memref<1x8xf32, #tpu.memory_space<vmem>>, %arg10: memref<1x8xf32, #tpu.memory_space<vmem>>) attributes {dimension_semantics = [], scalar_prefetch = 0 : i64, scratch_operands = 0 : i64, tpu.core_type = #tpu.core_type<tc>} {
    %get3A = arith.constant 0 : index
    %get3A_0 = arith.constant 0 : index
    %get3A_1 = vector.load %arg0[%get3A, %get3A_0] : memref<2048x768xf32, #tpu.memory_space<vmem>>, vector<2048x768xf32>
    %get3A_2 = arith.constant 0 : index
    %get3A_3 = arith.constant 0 : index
    %get3A_4 = vector.load %arg1[%get3A_2, %get3A_3] : memref<768x8xf32, #tpu.memory_space<vmem>>, vector<768x8xf32>
    %dot_general3A = arith.constant dense<0.000000e+00> : vector<2048x8xf32>
    %dot_general3A_5 = tpu.matmul %get3A_1, %get3A_4, %dot_general3A {dimension_numbers = #tpu.dot_dimension_numbers<[1], [0], [0], [1], [0, 0, 1, 1], [], []>, transpose_lhs_hint = false} : vector<2048x768xf32>, vector<768x8xf32>, vector<2048x8xf32> -> vector<2048x8xf32>
    %get3A_6 = arith.constant 0 : index
    %get3A_7 = arith.constant 0 : index
    %get3A_8 = vector.load %arg2[%get3A_6, %get3A_7] : memref<1x8xf32, #tpu.memory_space<vmem>>, vector<1x8xf32>
    %add3A = vector.broadcast %get3A_8 : vector<1x8xf32> to vector<2048x8xf32>
    %add3A_9 = arith.addf %dot_general3A_5, %add3A : vector<2048x8xf32>
    %swap3A = arith.constant 0 : index
    %swap3A_10 = arith.constant 0 : index
    %swap3A_11 = vector.load %arg3[%swap3A, %swap3A_10] : memref<2048x8xf32, #tpu.memory_space<vmem>>, vector<2048x8xf32>
    tpu.vector_store %arg3[%swap3A, %swap3A_10], %add3A_9 {strides = array<i32>} : memref<2048x8xf32, #tpu.memory_space<vmem>>, vector<2048x8xf32>,
    %reduce_max3A = arith.constant dense<0xFF800000> : vector<2048xf32>
    %reduce_max3A_12 = vector.multi_reduction <maximumf>, %add3A_9, %reduce_max3A [1] : vector<2048x8xf32> to vector<2048xf32>
    %broadcast_in_dim3A = vector.shape_cast %reduce_max3A_12 : vector<2048xf32> to vector<2048x1xf32>
    %sub3A = vector.broadcast %broadcast_in_dim3A : vector<2048x1xf32> to vector<2048x8xf32>
    %sub3A_13 = arith.subf %add3A_9, %sub3A : vector<2048x8xf32>
    %exp3A = math.exp %sub3A_13 : vector<2048x8xf32>
    %reduce_sum3A = arith.constant dense<0.000000e+00> : vector<2048xf32>
    %reduce_sum3A_14 = vector.multi_reduction <add>, %exp3A, %reduce_sum3A [1] : vector<2048x8xf32> to vector<2048xf32>
    %broadcast_in_dim3A_15 = vector.shape_cast %reduce_sum3A_14 : vector<2048xf32> to vector<2048x1xf32>
    %div3A = vector.broadcast %broadcast_in_dim3A_15 : vector<2048x1xf32> to vector<2048x8xf32>
    %div3A_16 = arith.divf %exp3A, %div3A : vector<2048x8xf32>
    %iota3A = tpu.iota {dimensions = array<i32: 1>} : vector<2048x8xi32>
    %reduce_max3A_17 = arith.constant dense<0xFF800000> : vector<2048xf32>
    %reduce_max3A_18 = vector.multi_reduction <maximumf>, %div3A_16, %reduce_max3A_17 [1] : vector<2048x8xf32> to vector<2048xf32>
    %broadcast_in_dim3A_19 = vector.shape_cast %reduce_max3A_18 : vector<2048xf32> to vector<2048x1xf32>
    %eq3A = vector.broadcast %broadcast_in_dim3A_19 : vector<2048x1xf32> to vector<2048x8xf32>
    %eq3A_20 = arith.cmpf oeq, %div3A_16, %eq3A : vector<2048x8xf32>
    %jit3A = arith.constant 8 : i32
    %broadcast_in_dim3A_21 = vector.broadcast %jit3A : i32 to vector<2048x8xi32>
    %select_n3A = arith.select %eq3A_20, %iota3A, %broadcast_in_dim3A_21 : vector<2048x8xi1>, vector<2048x8xi32>
    %reduce_min3A = arith.constant dense<2147483647> : vector<2048xi32>
    %reduce_min3A_22 = vector.multi_reduction <minsi>, %select_n3A, %reduce_min3A [1] : vector<2048x8xi32> to vector<2048xi32>
    %broadcast_in_dim3A_23 = vector.shape_cast %reduce_min3A_22 : vector<2048xi32> to vector<2048x1xi32>
    %eq3A_24 = vector.broadcast %broadcast_in_dim3A_23 : vector<2048x1xi32> to vector<2048x8xi32>
    %eq3A_25 = arith.cmpi eq, %iota3A, %eq3A_24 : vector<2048x8xi32>
    %jit3A_26 = arith.constant -1.000000e+00 : f32
    %broadcast_in_dim3A_27 = vector.broadcast %jit3A_26 : f32 to vector<2048x8xf32>
    %select_n3A_28 = arith.select %eq3A_25, %broadcast_in_dim3A_27, %div3A_16 : vector<2048x8xi1>, vector<2048x8xf32>
    %reduce_max3A_29 = arith.constant dense<0xFF800000> : vector<2048xf32>
    %reduce_max3A_30 = vector.multi_reduction <maximumf>, %select_n3A_28, %reduce_max3A_29 [1] : vector<2048x8xf32> to vector<2048xf32>
    %broadcast_in_dim3A_31 = vector.shape_cast %reduce_max3A_30 : vector<2048xf32> to vector<2048x1xf32>
    %eq3A_32 = vector.broadcast %broadcast_in_dim3A_31 : vector<2048x1xf32> to vector<2048x8xf32>
    %eq3A_33 = arith.cmpf oeq, %select_n3A_28, %eq3A_32 : vector<2048x8xf32>
    %jit3A_34 = arith.constant 8 : i32
    %broadcast_in_dim3A_35 = vector.broadcast %jit3A_34 : i32 to vector<2048x8xi32>
    %select_n3A_36 = arith.select %eq3A_33, %iota3A, %broadcast_in_dim3A_35 : vector<2048x8xi1>, vector<2048x8xi32>
    %reduce_min3A_37 = arith.constant dense<2147483647> : vector<2048xi32>
    %reduce_min3A_38 = vector.multi_reduction <minsi>, %select_n3A_36, %reduce_min3A_37 [1] : vector<2048x8xi32> to vector<2048xi32>
    %broadcast_in_dim3A_39 = vector.shape_cast %reduce_min3A_38 : vector<2048xi32> to vector<2048x1xi32>
    %eq3A_40 = vector.broadcast %broadcast_in_dim3A_23 : vector<2048x1xi32> to vector<2048x8xi32>
    %eq3A_41 = arith.cmpi eq, %iota3A, %eq3A_40 : vector<2048x8xi32>
    %eq3A_42 = vector.broadcast %broadcast_in_dim3A_39 : vector<2048x1xi32> to vector<2048x8xi32>
    %eq3A_43 = arith.cmpi eq, %iota3A, %eq3A_42 : vector<2048x8xi32>
    %or3A = arith.ori %eq3A_41, %eq3A_43 : vector<2048x8xi1>
    %jit3A_44 = arith.constant 0.000000e+00 : f32
    %broadcast_in_dim3A_45 = vector.broadcast %jit3A_44 : f32 to vector<2048x8xf32>
    %select_n3A_46 = arith.select %or3A, %div3A_16, %broadcast_in_dim3A_45 : vector<2048x8xi1>, vector<2048x8xf32>
    %add3A_47 = arith.addf %broadcast_in_dim3A_19, %broadcast_in_dim3A_31 : vector<2048x1xf32>
    %add3A_48 = arith.constant 9.99999971E-10 : f32
    %add3A_49 = vector.broadcast %add3A_48 : f32 to vector<2048x1xf32>
    %add3A_50 = arith.addf %add3A_47, %add3A_49 : vector<2048x1xf32>
    %div3A_51 = vector.broadcast %add3A_50 : vector<2048x1xf32> to vector<2048x8xf32>
    %div3A_52 = arith.divf %select_n3A_46, %div3A_51 : vector<2048x8xf32>
    %swap3A_53 = arith.constant 0 : index
    %swap3A_54 = arith.constant 0 : index
    %swap3A_55 = vector.load %arg4[%swap3A_53, %swap3A_54] : memref<2048x8xf32, #tpu.memory_space<vmem>>, vector<2048x8xf32>
    tpu.vector_store %arg4[%swap3A_53, %swap3A_54], %div3A_52 {strides = array<i32>} : memref<2048x8xf32, #tpu.memory_space<vmem>>, vector<2048x8xf32>,
    %concatenate3A = tpu.concatenate %broadcast_in_dim3A_23, %broadcast_in_dim3A_39 in 1 : vector<2048x1xi32>, vector<2048x1xi32> -> vector<2048x2xi32>
    %swap3A_56 = arith.constant 0 : index
    %swap3A_57 = arith.constant 0 : index
    %swap3A_58 = vector.load %arg5[%swap3A_56, %swap3A_57] : memref<2048x2xi32, #tpu.memory_space<vmem>>, vector<2048x2xi32>
    tpu.vector_store %arg5[%swap3A_56, %swap3A_57], %concatenate3A {strides = array<i32>} : memref<2048x2xi32, #tpu.memory_space<vmem>>, vector<2048x2xi32>,
    %reduce_sum3A_59 = arith.constant dense<0.000000e+00> : vector<8xf32>
    %reduce_sum3A_60 = vector.multi_reduction <add>, %div3A_52, %reduce_sum3A_59 [0] : vector<2048x8xf32> to vector<8xf32>
    %broadcast_in_dim3A_61 = vector.shape_cast %reduce_sum3A_60 : vector<8xf32> to vector<1x8xf32>
    %mul3A = arith.constant 4.8828125E-4 : f32
    %mul3A_62 = vector.broadcast %mul3A : f32 to vector<1x8xf32>
    %mul3A_63 = arith.mulf %broadcast_in_dim3A_61, %mul3A_62 : vector<1x8xf32>
    %swap3A_64 = arith.constant 0 : index
    %swap3A_65 = arith.constant 0 : index
    %swap3A_66 = vector.load %arg10[%swap3A_64, %swap3A_65] : memref<1x8xf32, #tpu.memory_space<vmem>>, vector<1x8xf32>
    tpu.vector_store %arg10[%swap3A_64, %swap3A_65], %mul3A_63 {strides = array<i32>} : memref<1x8xf32, #tpu.memory_space<vmem>>, vector<1x8xf32>,
    %iota3A_67 = tpu.iota {dimensions = array<i32: 0>} : vector<256x256xi32>
    %iota3A_68 = tpu.iota {dimensions = array<i32: 1>} : vector<256x256xi32>
    %ge3A = arith.cmpi sge, %iota3A_67, %iota3A_68 : vector<256x256xi32>
    %convert_element_type3A = arith.extui %ge3A : vector<256x256xi1> to vector<256x256xi32>
    %convert_element_type3A_69 = arith.sitofp %convert_element_type3A : vector<256x256xi32> to vector<256x256xf32>
    %eq3A_70 = vector.broadcast %broadcast_in_dim3A_23 : vector<2048x1xi32> to vector<2048x8xi32>
    %eq3A_71 = arith.cmpi eq, %iota3A, %eq3A_70 : vector<2048x8xi32>
    %convert_element_type3A_72 = arith.extui %eq3A_71 : vector<2048x8xi1> to vector<2048x8xi32>
    %convert_element_type3A_73 = arith.sitofp %convert_element_type3A_72 : vector<2048x8xi32> to vector<2048x8xf32>
    %broadcast_in_dim3A_74 = arith.constant 0.000000e+00 : f32
    %broadcast_in_dim3A_75 = vector.broadcast %broadcast_in_dim3A_74 : f32 to vector<1x8xf32>
    %slice3A = vector.extract_strided_slice %convert_element_type3A_73 {offsets = [0, 0], sizes = [256, 8], strides = [1, 1]} : vector<2048x8xf32> to vector<256x8xf32>
    %dot_general3A_76 = arith.constant dense<0.000000e+00> : vector<256x8xf32>
    %dot_general3A_77 = tpu.matmul %convert_element_type3A_69, %slice3A, %dot_general3A_76 {dimension_numbers = #tpu.dot_dimension_numbers<[1], [0], [0], [1], [0, 0, 1, 1], [], []>, transpose_lhs_hint = false} : vector<256x256xf32>, vector<256x8xf32>, vector<256x8xf32> -> vector<256x8xf32>
    %add3A_78 = vector.broadcast %broadcast_in_dim3A_75 : vector<1x8xf32> to vector<256x8xf32>
    %add3A_79 = arith.addf %dot_general3A_77, %add3A_78 : vector<256x8xf32>
    %slice3A_80 = vector.extract_strided_slice %add3A_79 {offsets = [255, 0], sizes = [1, 8], strides = [1, 1]} : vector<256x8xf32> to vector<1x8xf32>
    %slice3A_81 = vector.extract_strided_slice %convert_element_type3A_73 {offsets = [256, 0], sizes = [256, 8], strides = [1, 1]} : vector<2048x8xf32> to vector<256x8xf32>
    %dot_general3A_82 = arith.constant dense<0.000000e+00> : vector<256x8xf32>
    %dot_general3A_83 = tpu.matmul %convert_element_type3A_69, %slice3A_81, %dot_general3A_82 {dimension_numbers = #tpu.dot_dimension_numbers<[1], [0], [0], [1], [0, 0, 1, 1], [], []>, transpose_lhs_hint = false} : vector<256x256xf32>, vector<256x8xf32>, vector<256x8xf32> -> vector<256x8xf32>
    %add3A_84 = vector.broadcast %slice3A_80 : vector<1x8xf32> to vector<256x8xf32>
    %add3A_85 = arith.addf %dot_general3A_83, %add3A_84 : vector<256x8xf32>
    %slice3A_86 = vector.extract_strided_slice %add3A_85 {offsets = [255, 0], sizes = [1, 8], strides = [1, 1]} : vector<256x8xf32> to vector<1x8xf32>
    %slice3A_87 = vector.extract_strided_slice %convert_element_type3A_73 {offsets = [512, 0], sizes = [256, 8], strides = [1, 1]} : vector<2048x8xf32> to vector<256x8xf32>
    %dot_general3A_88 = arith.constant dense<0.000000e+00> : vector<256x8xf32>
    %dot_general3A_89 = tpu.matmul %convert_element_type3A_69, %slice3A_87, %dot_general3A_88 {dimension_numbers = #tpu.dot_dimension_numbers<[1], [0], [0], [1], [0, 0, 1, 1], [], []>, transpose_lhs_hint = false} : vector<256x256xf32>, vector<256x8xf32>, vector<256x8xf32> -> vector<256x8xf32>
    %add3A_90 = vector.broadcast %slice3A_86 : vector<1x8xf32> to vector<256x8xf32>
    %add3A_91 = arith.addf %dot_general3A_89, %add3A_90 : vector<256x8xf32>
    %slice3A_92 = vector.extract_strided_slice %add3A_91 {offsets = [255, 0], sizes = [1, 8], strides = [1, 1]} : vector<256x8xf32> to vector<1x8xf32>
    %slice3A_93 = vector.extract_strided_slice %convert_element_type3A_73 {offsets = [768, 0], sizes = [256, 8], strides = [1, 1]} : vector<2048x8xf32> to vector<256x8xf32>
    %dot_general3A_94 = arith.constant dense<0.000000e+00> : vector<256x8xf32>
    %dot_general3A_95 = tpu.matmul %convert_element_type3A_69, %slice3A_93, %dot_general3A_94 {dimension_numbers = #tpu.dot_dimension_numbers<[1], [0], [0], [1], [0, 0, 1, 1], [], []>, transpose_lhs_hint = false} : vector<256x256xf32>, vector<256x8xf32>, vector<256x8xf32> -> vector<256x8xf32>
    %add3A_96 = vector.broadcast %slice3A_92 : vector<1x8xf32> to vector<256x8xf32>
    %add3A_97 = arith.addf %dot_general3A_95, %add3A_96 : vector<256x8xf32>
    %slice3A_98 = vector.extract_strided_slice %add3A_97 {offsets = [255, 0], sizes = [1, 8], strides = [1, 1]} : vector<256x8xf32> to vector<1x8xf32>
    %slice3A_99 = vector.extract_strided_slice %convert_element_type3A_73 {offsets = [1024, 0], sizes = [256, 8], strides = [1, 1]} : vector<2048x8xf32> to vector<256x8xf32>
    %dot_general3A_100 = arith.constant dense<0.000000e+00> : vector<256x8xf32>
    %dot_general3A_101 = tpu.matmul %convert_element_type3A_69, %slice3A_99, %dot_general3A_100 {dimension_numbers = #tpu.dot_dimension_numbers<[1], [0], [0], [1], [0, 0, 1, 1], [], []>, transpose_lhs_hint = false} : vector<256x256xf32>, vector<256x8xf32>, vector<256x8xf32> -> vector<256x8xf32>
    %add3A_102 = vector.broadcast %slice3A_98 : vector<1x8xf32> to vector<256x8xf32>
    %add3A_103 = arith.addf %dot_general3A_101, %add3A_102 : vector<256x8xf32>
    %slice3A_104 = vector.extract_strided_slice %add3A_103 {offsets = [255, 0], sizes = [1, 8], strides = [1, 1]} : vector<256x8xf32> to vector<1x8xf32>
    %slice3A_105 = vector.extract_strided_slice %convert_element_type3A_73 {offsets = [1280, 0], sizes = [256, 8], strides = [1, 1]} : vector<2048x8xf32> to vector<256x8xf32>
    %dot_general3A_106 = arith.constant dense<0.000000e+00> : vector<256x8xf32>
    %dot_general3A_107 = tpu.matmul %convert_element_type3A_69, %slice3A_105, %dot_general3A_106 {dimension_numbers = #tpu.dot_dimension_numbers<[1], [0], [0], [1], [0, 0, 1, 1], [], []>, transpose_lhs_hint = false} : vector<256x256xf32>, vector<256x8xf32>, vector<256x8xf32> -> vector<256x8xf32>
    %add3A_108 = vector.broadcast %slice3A_104 : vector<1x8xf32> to vector<256x8xf32>
    %add3A_109 = arith.addf %dot_general3A_107, %add3A_108 : vector<256x8xf32>
    %slice3A_110 = vector.extract_strided_slice %add3A_109 {offsets = [255, 0], sizes = [1, 8], strides = [1, 1]} : vector<256x8xf32> to vector<1x8xf32>
    %slice3A_111 = vector.extract_strided_slice %convert_element_type3A_73 {offsets = [1536, 0], sizes = [256, 8], strides = [1, 1]} : vector<2048x8xf32> to vector<256x8xf32>
    %dot_general3A_112 = arith.constant dense<0.000000e+00> : vector<256x8xf32>
    %dot_general3A_113 = tpu.matmul %convert_element_type3A_69, %slice3A_111, %dot_general3A_112 {dimension_numbers = #tpu.dot_dimension_numbers<[1], [0], [0], [1], [0, 0, 1, 1], [], []>, transpose_lhs_hint = false} : vector<256x256xf32>, vector<256x8xf32>, vector<256x8xf32> -> vector<256x8xf32>
    %add3A_114 = vector.broadcast %slice3A_110 : vector<1x8xf32> to vector<256x8xf32>
    %add3A_115 = arith.addf %dot_general3A_113, %add3A_114 : vector<256x8xf32>
    %slice3A_116 = vector.extract_strided_slice %add3A_115 {offsets = [255, 0], sizes = [1, 8], strides = [1, 1]} : vector<256x8xf32> to vector<1x8xf32>
    %slice3A_117 = vector.extract_strided_slice %convert_element_type3A_73 {offsets = [1792, 0], sizes = [256, 8], strides = [1, 1]} : vector<2048x8xf32> to vector<256x8xf32>
    %dot_general3A_118 = arith.constant dense<0.000000e+00> : vector<256x8xf32>
    %dot_general3A_119 = tpu.matmul %convert_element_type3A_69, %slice3A_117, %dot_general3A_118 {dimension_numbers = #tpu.dot_dimension_numbers<[1], [0], [0], [1], [0, 0, 1, 1], [], []>, transpose_lhs_hint = false} : vector<256x256xf32>, vector<256x8xf32>, vector<256x8xf32> -> vector<256x8xf32>
    %add3A_120 = vector.broadcast %slice3A_116 : vector<1x8xf32> to vector<256x8xf32>
    %add3A_121 = arith.addf %dot_general3A_119, %add3A_120 : vector<256x8xf32>
    %concatenate3A_122 = tpu.concatenate %add3A_79, %add3A_85, %add3A_91, %add3A_97, %add3A_103, %add3A_109, %add3A_115, %add3A_121 in 0 : vector<256x8xf32>, vector<256x8xf32>, vector<256x8xf32>, vector<256x8xf32>, vector<256x8xf32>, vector<256x8xf32>, vector<256x8xf32>, vector<256x8xf32> -> vector<2048x8xf32>
    %slice3A_123 = vector.extract_strided_slice %concatenate3A_122 {offsets = [2047, 0], sizes = [1, 8], strides = [1, 1]} : vector<2048x8xf32> to vector<1x8xf32>
    %mul3A_124 = arith.mulf %concatenate3A_122, %convert_element_type3A_73 : vector<2048x8xf32>
    %reduce_sum3A_125 = arith.constant dense<0.000000e+00> : vector<2048xf32>
    %reduce_sum3A_126 = vector.multi_reduction <add>, %mul3A_124, %reduce_sum3A_125 [1] : vector<2048x8xf32> to vector<2048xf32>
    %broadcast_in_dim3A_127 = vector.shape_cast %reduce_sum3A_126 : vector<2048xf32> to vector<2048x1xf32>
    %sub3A_128 = arith.constant 1.000000e+00 : f32
    %sub3A_129 = vector.broadcast %sub3A_128 : f32 to vector<2048x1xf32>
    %sub3A_130 = arith.subf %broadcast_in_dim3A_127, %sub3A_129 : vector<2048x1xf32>
    %lt3A = arith.constant 3.200000e+02 : f32
    %lt3A_131 = vector.broadcast %lt3A : f32 to vector<2048x1xf32>
    %lt3A_132 = arith.cmpf olt, %sub3A_130, %lt3A_131 : vector<2048x1xf32>
    %min3A = arith.constant 3.200000e+02 : f32
    %min3A_133 = vector.broadcast %min3A : f32 to vector<1x8xf32>
    %min3A_134 = arith.minimumf %slice3A_123, %min3A_133 : vector<1x8xf32>
    %not3A = arith.constant dense<true> : vector<2048x1xi1>
    %not3A_135 = arith.xori %lt3A_132, %not3A : vector<2048x1xi1>
    %eq3A_136 = vector.broadcast %broadcast_in_dim3A_39 : vector<2048x1xi32> to vector<2048x8xi32>
    %eq3A_137 = arith.cmpi eq, %iota3A, %eq3A_136 : vector<2048x8xi32>
    %and3A = vector.broadcast %not3A_135 : vector<2048x1xi1> to vector<2048x8xi1>
    %and3A_138 = arith.andi %eq3A_137, %and3A : vector<2048x8xi1>
    %convert_element_type3A_139 = arith.extui %and3A_138 : vector<2048x8xi1> to vector<2048x8xi32>
    %convert_element_type3A_140 = arith.sitofp %convert_element_type3A_139 : vector<2048x8xi32> to vector<2048x8xf32>
    %broadcast_in_dim3A_141 = arith.constant 0.000000e+00 : f32
    %broadcast_in_dim3A_142 = vector.broadcast %broadcast_in_dim3A_141 : f32 to vector<1x8xf32>
    %slice3A_143 = vector.extract_strided_slice %convert_element_type3A_140 {offsets = [0, 0], sizes = [256, 8], strides = [1, 1]} : vector<2048x8xf32> to vector<256x8xf32>
    %dot_general3A_144 = arith.constant dense<0.000000e+00> : vector<256x8xf32>
    %dot_general3A_145 = tpu.matmul %convert_element_type3A_69, %slice3A_143, %dot_general3A_144 {dimension_numbers = #tpu.dot_dimension_numbers<[1], [0], [0], [1], [0, 0, 1, 1], [], []>, transpose_lhs_hint = false} : vector<256x256xf32>, vector<256x8xf32>, vector<256x8xf32> -> vector<256x8xf32>
    %add3A_146 = vector.broadcast %broadcast_in_dim3A_142 : vector<1x8xf32> to vector<256x8xf32>
    %add3A_147 = arith.addf %dot_general3A_145, %add3A_146 : vector<256x8xf32>
    %slice3A_148 = vector.extract_strided_slice %add3A_147 {offsets = [255, 0], sizes = [1, 8], strides = [1, 1]} : vector<256x8xf32> to vector<1x8xf32>
    %slice3A_149 = vector.extract_strided_slice %convert_element_type3A_140 {offsets = [256, 0], sizes = [256, 8], strides = [1, 1]} : vector<2048x8xf32> to vector<256x8xf32>
    %dot_general3A_150 = arith.constant dense<0.000000e+00> : vector<256x8xf32>
    %dot_general3A_151 = tpu.matmul %convert_element_type3A_69, %slice3A_149, %dot_general3A_150 {dimension_numbers = #tpu.dot_dimension_numbers<[1], [0], [0], [1], [0, 0, 1, 1], [], []>, transpose_lhs_hint = false} : vector<256x256xf32>, vector<256x8xf32>, vector<256x8xf32> -> vector<256x8xf32>
    %add3A_152 = vector.broadcast %slice3A_148 : vector<1x8xf32> to vector<256x8xf32>
    %add3A_153 = arith.addf %dot_general3A_151, %add3A_152 : vector<256x8xf32>
    %slice3A_154 = vector.extract_strided_slice %add3A_153 {offsets = [255, 0], sizes = [1, 8], strides = [1, 1]} : vector<256x8xf32> to vector<1x8xf32>
    %slice3A_155 = vector.extract_strided_slice %convert_element_type3A_140 {offsets = [512, 0], sizes = [256, 8], strides = [1, 1]} : vector<2048x8xf32> to vector<256x8xf32>
    %dot_general3A_156 = arith.constant dense<0.000000e+00> : vector<256x8xf32>
    %dot_general3A_157 = tpu.matmul %convert_element_type3A_69, %slice3A_155, %dot_general3A_156 {dimension_numbers = #tpu.dot_dimension_numbers<[1], [0], [0], [1], [0, 0, 1, 1], [], []>, transpose_lhs_hint = false} : vector<256x256xf32>, vector<256x8xf32>, vector<256x8xf32> -> vector<256x8xf32>
    %add3A_158 = vector.broadcast %slice3A_154 : vector<1x8xf32> to vector<256x8xf32>
    %add3A_159 = arith.addf %dot_general3A_157, %add3A_158 : vector<256x8xf32>
    %slice3A_160 = vector.extract_strided_slice %add3A_159 {offsets = [255, 0], sizes = [1, 8], strides = [1, 1]} : vector<256x8xf32> to vector<1x8xf32>
    %slice3A_161 = vector.extract_strided_slice %convert_element_type3A_140 {offsets = [768, 0], sizes = [256, 8], strides = [1, 1]} : vector<2048x8xf32> to vector<256x8xf32>
    %dot_general3A_162 = arith.constant dense<0.000000e+00> : vector<256x8xf32>
    %dot_general3A_163 = tpu.matmul %convert_element_type3A_69, %slice3A_161, %dot_general3A_162 {dimension_numbers = #tpu.dot_dimension_numbers<[1], [0], [0], [1], [0, 0, 1, 1], [], []>, transpose_lhs_hint = false} : vector<256x256xf32>, vector<256x8xf32>, vector<256x8xf32> -> vector<256x8xf32>
    %add3A_164 = vector.broadcast %slice3A_160 : vector<1x8xf32> to vector<256x8xf32>
    %add3A_165 = arith.addf %dot_general3A_163, %add3A_164 : vector<256x8xf32>
    %slice3A_166 = vector.extract_strided_slice %add3A_165 {offsets = [255, 0], sizes = [1, 8], strides = [1, 1]} : vector<256x8xf32> to vector<1x8xf32>
    %slice3A_167 = vector.extract_strided_slice %convert_element_type3A_140 {offsets = [1024, 0], sizes = [256, 8], strides = [1, 1]} : vector<2048x8xf32> to vector<256x8xf32>
    %dot_general3A_168 = arith.constant dense<0.000000e+00> : vector<256x8xf32>
    %dot_general3A_169 = tpu.matmul %convert_element_type3A_69, %slice3A_167, %dot_general3A_168 {dimension_numbers = #tpu.dot_dimension_numbers<[1], [0], [0], [1], [0, 0, 1, 1], [], []>, transpose_lhs_hint = false} : vector<256x256xf32>, vector<256x8xf32>, vector<256x8xf32> -> vector<256x8xf32>
    %add3A_170 = vector.broadcast %slice3A_166 : vector<1x8xf32> to vector<256x8xf32>
    %add3A_171 = arith.addf %dot_general3A_169, %add3A_170 : vector<256x8xf32>
    %slice3A_172 = vector.extract_strided_slice %add3A_171 {offsets = [255, 0], sizes = [1, 8], strides = [1, 1]} : vector<256x8xf32> to vector<1x8xf32>
    %slice3A_173 = vector.extract_strided_slice %convert_element_type3A_140 {offsets = [1280, 0], sizes = [256, 8], strides = [1, 1]} : vector<2048x8xf32> to vector<256x8xf32>
    %dot_general3A_174 = arith.constant dense<0.000000e+00> : vector<256x8xf32>
    %dot_general3A_175 = tpu.matmul %convert_element_type3A_69, %slice3A_173, %dot_general3A_174 {dimension_numbers = #tpu.dot_dimension_numbers<[1], [0], [0], [1], [0, 0, 1, 1], [], []>, transpose_lhs_hint = false} : vector<256x256xf32>, vector<256x8xf32>, vector<256x8xf32> -> vector<256x8xf32>
    %add3A_176 = vector.broadcast %slice3A_172 : vector<1x8xf32> to vector<256x8xf32>
    %add3A_177 = arith.addf %dot_general3A_175, %add3A_176 : vector<256x8xf32>
    %slice3A_178 = vector.extract_strided_slice %add3A_177 {offsets = [255, 0], sizes = [1, 8], strides = [1, 1]} : vector<256x8xf32> to vector<1x8xf32>
    %slice3A_179 = vector.extract_strided_slice %convert_element_type3A_140 {offsets = [1536, 0], sizes = [256, 8], strides = [1, 1]} : vector<2048x8xf32> to vector<256x8xf32>
    %dot_general3A_180 = arith.constant dense<0.000000e+00> : vector<256x8xf32>
    %dot_general3A_181 = tpu.matmul %convert_element_type3A_69, %slice3A_179, %dot_general3A_180 {dimension_numbers = #tpu.dot_dimension_numbers<[1], [0], [0], [1], [0, 0, 1, 1], [], []>, transpose_lhs_hint = false} : vector<256x256xf32>, vector<256x8xf32>, vector<256x8xf32> -> vector<256x8xf32>
    %add3A_182 = vector.broadcast %slice3A_178 : vector<1x8xf32> to vector<256x8xf32>
    %add3A_183 = arith.addf %dot_general3A_181, %add3A_182 : vector<256x8xf32>
    %slice3A_184 = vector.extract_strided_slice %add3A_183 {offsets = [255, 0], sizes = [1, 8], strides = [1, 1]} : vector<256x8xf32> to vector<1x8xf32>
    %slice3A_185 = vector.extract_strided_slice %convert_element_type3A_140 {offsets = [1792, 0], sizes = [256, 8], strides = [1, 1]} : vector<2048x8xf32> to vector<256x8xf32>
    %dot_general3A_186 = arith.constant dense<0.000000e+00> : vector<256x8xf32>
    %dot_general3A_187 = tpu.matmul %convert_element_type3A_69, %slice3A_185, %dot_general3A_186 {dimension_numbers = #tpu.dot_dimension_numbers<[1], [0], [0], [1], [0, 0, 1, 1], [], []>, transpose_lhs_hint = false} : vector<256x256xf32>, vector<256x8xf32>, vector<256x8xf32> -> vector<256x8xf32>
    %add3A_188 = vector.broadcast %slice3A_184 : vector<1x8xf32> to vector<256x8xf32>
    %add3A_189 = arith.addf %dot_general3A_187, %add3A_188 : vector<256x8xf32>
    %concatenate3A_190 = tpu.concatenate %add3A_147, %add3A_153, %add3A_159, %add3A_165, %add3A_171, %add3A_177, %add3A_183, %add3A_189 in 0 : vector<256x8xf32>, vector<256x8xf32>, vector<256x8xf32>, vector<256x8xf32>, vector<256x8xf32>, vector<256x8xf32>, vector<256x8xf32>, vector<256x8xf32> -> vector<2048x8xf32>
    %mul3A_191 = arith.mulf %concatenate3A_190, %convert_element_type3A_140 : vector<2048x8xf32>
    %reduce_sum3A_192 = arith.constant dense<0.000000e+00> : vector<2048xf32>
    %reduce_sum3A_193 = vector.multi_reduction <add>, %mul3A_191, %reduce_sum3A_192 [1] : vector<2048x8xf32> to vector<2048xf32>
    %broadcast_in_dim3A_194 = vector.shape_cast %reduce_sum3A_193 : vector<2048xf32> to vector<2048x1xf32>
    %sub3A_195 = arith.constant 1.000000e+00 : f32
    %sub3A_196 = vector.broadcast %sub3A_195 : f32 to vector<2048x1xf32>
    %sub3A_197 = arith.subf %broadcast_in_dim3A_194, %sub3A_196 : vector<2048x1xf32>
    %sub3A_198 = arith.constant 3.200000e+02 : f32
    %sub3A_199 = vector.broadcast %sub3A_198 : f32 to vector<1x8xf32>
    %sub3A_200 = arith.subf %sub3A_199, %min3A_134 : vector<1x8xf32>
    %mul3A_201 = vector.broadcast %sub3A_200 : vector<1x8xf32> to vector<2048x8xf32>
    %mul3A_202 = arith.mulf %convert_element_type3A_140, %mul3A_201 : vector<2048x8xf32>
    %reduce_sum3A_203 = arith.constant dense<0.000000e+00> : vector<2048xf32>
    %reduce_sum3A_204 = vector.multi_reduction <add>, %mul3A_202, %reduce_sum3A_203 [1] : vector<2048x8xf32> to vector<2048xf32>
    %broadcast_in_dim3A_205 = vector.shape_cast %reduce_sum3A_204 : vector<2048xf32> to vector<2048x1xf32>
    %mul3A_206 = vector.broadcast %min3A_134 : vector<1x8xf32> to vector<2048x8xf32>
    %mul3A_207 = arith.mulf %convert_element_type3A_140, %mul3A_206 : vector<2048x8xf32>
    %reduce_sum3A_208 = arith.constant dense<0.000000e+00> : vector<2048xf32>
    %reduce_sum3A_209 = vector.multi_reduction <add>, %mul3A_207, %reduce_sum3A_208 [1] : vector<2048x8xf32> to vector<2048xf32>
    %broadcast_in_dim3A_210 = vector.shape_cast %reduce_sum3A_209 : vector<2048xf32> to vector<2048x1xf32>
    %lt3A_211 = arith.cmpf olt, %sub3A_197, %broadcast_in_dim3A_205 : vector<2048x1xf32>
    %and3A_212 = arith.andi %not3A_135, %lt3A_211 : vector<2048x1xi1>
    %not3A_213 = arith.constant dense<true> : vector<2048x1xi1>
    %not3A_214 = arith.xori %and3A_212, %not3A_213 : vector<2048x1xi1>
    %and3A_215 = arith.andi %not3A_135, %not3A_214 : vector<2048x1xi1>
    %convert_element_type3A_216 = arith.extui %and3A_215 : vector<2048x1xi1> to vector<2048x1xi32>
    %convert_element_type3A_217 = arith.sitofp %convert_element_type3A_216 : vector<2048x1xi32> to vector<2048x1xf32>
    %broadcast_in_dim3A_218 = arith.constant 0.000000e+00 : f32
    %broadcast_in_dim3A_219 = vector.broadcast %broadcast_in_dim3A_218 : f32 to vector<1x1xf32>
    %slice3A_220 = vector.extract_strided_slice %convert_element_type3A_217 {offsets = [0, 0], sizes = [256, 1], strides = [1, 1]} : vector<2048x1xf32> to vector<256x1xf32>
    %dot_general3A_221 = arith.constant dense<0.000000e+00> : vector<256x1xf32>
    %dot_general3A_222 = tpu.matmul %convert_element_type3A_69, %slice3A_220, %dot_general3A_221 {dimension_numbers = #tpu.dot_dimension_numbers<[1], [0], [0], [1], [0, 0, 1, 1], [], []>, transpose_lhs_hint = false} : vector<256x256xf32>, vector<256x1xf32>, vector<256x1xf32> -> vector<256x1xf32>
    %add3A_223 = vector.broadcast %broadcast_in_dim3A_219 : vector<1x1xf32> to vector<256x1xf32>
    %add3A_224 = arith.addf %dot_general3A_222, %add3A_223 : vector<256x1xf32>
    %slice3A_225 = vector.extract_strided_slice %add3A_224 {offsets = [255, 0], sizes = [1, 1], strides = [1, 1]} : vector<256x1xf32> to vector<1x1xf32>
    %slice3A_226 = vector.extract_strided_slice %convert_element_type3A_217 {offsets = [256, 0], sizes = [256, 1], strides = [1, 1]} : vector<2048x1xf32> to vector<256x1xf32>
    %dot_general3A_227 = arith.constant dense<0.000000e+00> : vector<256x1xf32>
    %dot_general3A_228 = tpu.matmul %convert_element_type3A_69, %slice3A_226, %dot_general3A_227 {dimension_numbers = #tpu.dot_dimension_numbers<[1], [0], [0], [1], [0, 0, 1, 1], [], []>, transpose_lhs_hint = false} : vector<256x256xf32>, vector<256x1xf32>, vector<256x1xf32> -> vector<256x1xf32>
    %add3A_229 = vector.broadcast %slice3A_225 : vector<1x1xf32> to vector<256x1xf32>
    %add3A_230 = arith.addf %dot_general3A_228, %add3A_229 : vector<256x1xf32>
    %slice3A_231 = vector.extract_strided_slice %add3A_230 {offsets = [255, 0], sizes = [1, 1], strides = [1, 1]} : vector<256x1xf32> to vector<1x1xf32>
    %slice3A_232 = vector.extract_strided_slice %convert_element_type3A_217 {offsets = [512, 0], sizes = [256, 1], strides = [1, 1]} : vector<2048x1xf32> to vector<256x1xf32>
    %dot_general3A_233 = arith.constant dense<0.000000e+00> : vector<256x1xf32>
    %dot_general3A_234 = tpu.matmul %convert_element_type3A_69, %slice3A_232, %dot_general3A_233 {dimension_numbers = #tpu.dot_dimension_numbers<[1], [0], [0], [1], [0, 0, 1, 1], [], []>, transpose_lhs_hint = false} : vector<256x256xf32>, vector<256x1xf32>, vector<256x1xf32> -> vector<256x1xf32>
    %add3A_235 = vector.broadcast %slice3A_231 : vector<1x1xf32> to vector<256x1xf32>
    %add3A_236 = arith.addf %dot_general3A_234, %add3A_235 : vector<256x1xf32>
    %slice3A_237 = vector.extract_strided_slice %add3A_236 {offsets = [255, 0], sizes = [1, 1], strides = [1, 1]} : vector<256x1xf32> to vector<1x1xf32>
    %slice3A_238 = vector.extract_strided_slice %convert_element_type3A_217 {offsets = [768, 0], sizes = [256, 1], strides = [1, 1]} : vector<2048x1xf32> to vector<256x1xf32>
    %dot_general3A_239 = arith.constant dense<0.000000e+00> : vector<256x1xf32>
    %dot_general3A_240 = tpu.matmul %convert_element_type3A_69, %slice3A_238, %dot_general3A_239 {dimension_numbers = #tpu.dot_dimension_numbers<[1], [0], [0], [1], [0, 0, 1, 1], [], []>, transpose_lhs_hint = false} : vector<256x256xf32>, vector<256x1xf32>, vector<256x1xf32> -> vector<256x1xf32>
    %add3A_241 = vector.broadcast %slice3A_237 : vector<1x1xf32> to vector<256x1xf32>
    %add3A_242 = arith.addf %dot_general3A_240, %add3A_241 : vector<256x1xf32>
    %slice3A_243 = vector.extract_strided_slice %add3A_242 {offsets = [255, 0], sizes = [1, 1], strides = [1, 1]} : vector<256x1xf32> to vector<1x1xf32>
    %slice3A_244 = vector.extract_strided_slice %convert_element_type3A_217 {offsets = [1024, 0], sizes = [256, 1], strides = [1, 1]} : vector<2048x1xf32> to vector<256x1xf32>
    %dot_general3A_245 = arith.constant dense<0.000000e+00> : vector<256x1xf32>
    %dot_general3A_246 = tpu.matmul %convert_element_type3A_69, %slice3A_244, %dot_general3A_245 {dimension_numbers = #tpu.dot_dimension_numbers<[1], [0], [0], [1], [0, 0, 1, 1], [], []>, transpose_lhs_hint = false} : vector<256x256xf32>, vector<256x1xf32>, vector<256x1xf32> -> vector<256x1xf32>
    %add3A_247 = vector.broadcast %slice3A_243 : vector<1x1xf32> to vector<256x1xf32>
    %add3A_248 = arith.addf %dot_general3A_246, %add3A_247 : vector<256x1xf32>
    %slice3A_249 = vector.extract_strided_slice %add3A_248 {offsets = [255, 0], sizes = [1, 1], strides = [1, 1]} : vector<256x1xf32> to vector<1x1xf32>
    %slice3A_250 = vector.extract_strided_slice %convert_element_type3A_217 {offsets = [1280, 0], sizes = [256, 1], strides = [1, 1]} : vector<2048x1xf32> to vector<256x1xf32>
    %dot_general3A_251 = arith.constant dense<0.000000e+00> : vector<256x1xf32>
    %dot_general3A_252 = tpu.matmul %convert_element_type3A_69, %slice3A_250, %dot_general3A_251 {dimension_numbers = #tpu.dot_dimension_numbers<[1], [0], [0], [1], [0, 0, 1, 1], [], []>, transpose_lhs_hint = false} : vector<256x256xf32>, vector<256x1xf32>, vector<256x1xf32> -> vector<256x1xf32>
    %add3A_253 = vector.broadcast %slice3A_249 : vector<1x1xf32> to vector<256x1xf32>
    %add3A_254 = arith.addf %dot_general3A_252, %add3A_253 : vector<256x1xf32>
    %slice3A_255 = vector.extract_strided_slice %add3A_254 {offsets = [255, 0], sizes = [1, 1], strides = [1, 1]} : vector<256x1xf32> to vector<1x1xf32>
    %slice3A_256 = vector.extract_strided_slice %convert_element_type3A_217 {offsets = [1536, 0], sizes = [256, 1], strides = [1, 1]} : vector<2048x1xf32> to vector<256x1xf32>
    %dot_general3A_257 = arith.constant dense<0.000000e+00> : vector<256x1xf32>
    %dot_general3A_258 = tpu.matmul %convert_element_type3A_69, %slice3A_256, %dot_general3A_257 {dimension_numbers = #tpu.dot_dimension_numbers<[1], [0], [0], [1], [0, 0, 1, 1], [], []>, transpose_lhs_hint = false} : vector<256x256xf32>, vector<256x1xf32>, vector<256x1xf32> -> vector<256x1xf32>
    %add3A_259 = vector.broadcast %slice3A_255 : vector<1x1xf32> to vector<256x1xf32>
    %add3A_260 = arith.addf %dot_general3A_258, %add3A_259 : vector<256x1xf32>
    %slice3A_261 = vector.extract_strided_slice %add3A_260 {offsets = [255, 0], sizes = [1, 1], strides = [1, 1]} : vector<256x1xf32> to vector<1x1xf32>
    %slice3A_262 = vector.extract_strided_slice %convert_element_type3A_217 {offsets = [1792, 0], sizes = [256, 1], strides = [1, 1]} : vector<2048x1xf32> to vector<256x1xf32>
    %dot_general3A_263 = arith.constant dense<0.000000e+00> : vector<256x1xf32>
    %dot_general3A_264 = tpu.matmul %convert_element_type3A_69, %slice3A_262, %dot_general3A_263 {dimension_numbers = #tpu.dot_dimension_numbers<[1], [0], [0], [1], [0, 0, 1, 1], [], []>, transpose_lhs_hint = false} : vector<256x256xf32>, vector<256x1xf32>, vector<256x1xf32> -> vector<256x1xf32>
    %add3A_265 = vector.broadcast %slice3A_261 : vector<1x1xf32> to vector<256x1xf32>
    %add3A_266 = arith.addf %dot_general3A_264, %add3A_265 : vector<256x1xf32>
    %concatenate3A_267 = tpu.concatenate %add3A_224, %add3A_230, %add3A_236, %add3A_242, %add3A_248, %add3A_254, %add3A_260, %add3A_266 in 0 : vector<256x1xf32>, vector<256x1xf32>, vector<256x1xf32>, vector<256x1xf32>, vector<256x1xf32>, vector<256x1xf32>, vector<256x1xf32>, vector<256x1xf32> -> vector<2048x1xf32>
    %slice3A_268 = vector.extract_strided_slice %concatenate3A_267 {offsets = [2047, 0], sizes = [1, 1], strides = [1, 1]} : vector<2048x1xf32> to vector<1x1xf32>
    %convert_element_type3A_269 = arith.fptosi %slice3A_268 : vector<1x1xf32> to vector<1x1xi32>
    %swap3A_270 = arith.constant 0 : index
    %swap3A_271 = arith.constant 0 : index
    %swap3A_272 = vector.load %arg7[%swap3A_270, %swap3A_271] : memref<1x1xi32, #tpu.memory_space<vmem>>, vector<1x1xi32>
    tpu.vector_store %arg7[%swap3A_270, %swap3A_271], %convert_element_type3A_269 {strides = array<i32>} : memref<1x1xi32, #tpu.memory_space<vmem>>, vector<1x1xi32>,
    %convert_element_type3A_273 = arith.sitofp %broadcast_in_dim3A_23 : vector<2048x1xi32> to vector<2048x1xf32>
    %mul3A_274 = arith.constant 3.200000e+02 : f32
    %mul3A_275 = vector.broadcast %mul3A_274 : f32 to vector<2048x1xf32>
    %mul3A_276 = arith.mulf %convert_element_type3A_273, %mul3A_275 : vector<2048x1xf32>
    %add3A_277 = arith.addf %mul3A_276, %sub3A_130 : vector<2048x1xf32>
    %convert_element_type3A_278 = arith.sitofp %broadcast_in_dim3A_39 : vector<2048x1xi32> to vector<2048x1xf32>
    %mul3A_279 = arith.constant 3.200000e+02 : f32
    %mul3A_280 = vector.broadcast %mul3A_279 : f32 to vector<2048x1xf32>
    %mul3A_281 = arith.mulf %convert_element_type3A_278, %mul3A_280 : vector<2048x1xf32>
    %add3A_282 = arith.addf %mul3A_281, %broadcast_in_dim3A_210 : vector<2048x1xf32>
    %add3A_283 = arith.addf %add3A_282, %sub3A_197 : vector<2048x1xf32>
    %add3A_284 = arith.constant 2.560000e+03 : f32
    %add3A_285 = vector.broadcast %add3A_284 : f32 to vector<2048x1xf32>
    %add3A_286 = arith.addf %add3A_285, %concatenate3A_267 : vector<2048x1xf32>
    %sub3A_287 = arith.constant 1.000000e+00 : f32
    %sub3A_288 = vector.broadcast %sub3A_287 : f32 to vector<2048x1xf32>
    %sub3A_289 = arith.subf %add3A_286, %sub3A_288 : vector<2048x1xf32>
    %select_n3A_290 = arith.select %and3A_212, %add3A_283, %sub3A_289 : vector<2048x1xi1>, vector<2048x1xf32>
    %select_n3A_291 = arith.select %lt3A_132, %add3A_277, %select_n3A_290 : vector<2048x1xi1>, vector<2048x1xf32>
    %convert_element_type3A_292 = arith.fptosi %select_n3A_291 : vector<2048x1xf32> to vector<2048x1xi32>
    %swap3A_293 = arith.constant 0 : index
    %swap3A_294 = arith.constant 0 : index
    %swap3A_295 = vector.load %arg6[%swap3A_293, %swap3A_294] : memref<2048x1xi32, #tpu.memory_space<vmem>>, vector<2048x1xi32>
    tpu.vector_store %arg6[%swap3A_293, %swap3A_294], %convert_element_type3A_292 {strides = array<i32>} : memref<2048x1xi32, #tpu.memory_space<vmem>>, vector<2048x1xi32>,
    %convert_element_type3A_296 = arith.extui %lt3A_132 : vector<2048x1xi1> to vector<2048x1xi32>
    %convert_element_type3A_297 = arith.sitofp %convert_element_type3A_296 : vector<2048x1xi32> to vector<2048x1xf32>
    %mul3A_298 = vector.broadcast %convert_element_type3A_297 : vector<2048x1xf32> to vector<2048x8xf32>
    %mul3A_299 = arith.mulf %convert_element_type3A_73, %mul3A_298 : vector<2048x8xf32>
    %eq3A_300 = vector.broadcast %broadcast_in_dim3A_39 : vector<2048x1xi32> to vector<2048x8xi32>
    %eq3A_301 = arith.cmpi eq, %iota3A, %eq3A_300 : vector<2048x8xi32>
    %and3A_302 = vector.broadcast %and3A_212 : vector<2048x1xi1> to vector<2048x8xi1>
    %and3A_303 = arith.andi %eq3A_301, %and3A_302 : vector<2048x8xi1>
    %convert_element_type3A_304 = arith.extui %and3A_303 : vector<2048x8xi1> to vector<2048x8xi32>
    %convert_element_type3A_305 = arith.sitofp %convert_element_type3A_304 : vector<2048x8xi32> to vector<2048x8xf32>
    %add3A_306 = arith.addf %mul3A_299, %convert_element_type3A_305 : vector<2048x8xf32>
    %reduce_sum3A_307 = arith.constant dense<0.000000e+00> : vector<8xf32>
    %reduce_sum3A_308 = vector.multi_reduction <add>, %add3A_306, %reduce_sum3A_307 [0] : vector<2048x8xf32> to vector<8xf32>
    %broadcast_in_dim3A_309 = vector.shape_cast %reduce_sum3A_308 : vector<8xf32> to vector<1x8xf32>
    %mul3A_310 = arith.constant 4.8828125E-4 : f32
    %mul3A_311 = vector.broadcast %mul3A_310 : f32 to vector<1x8xf32>
    %mul3A_312 = arith.mulf %broadcast_in_dim3A_309, %mul3A_311 : vector<1x8xf32>
    %swap3A_313 = arith.constant 0 : index
    %swap3A_314 = arith.constant 0 : index
    %swap3A_315 = vector.load %arg8[%swap3A_313, %swap3A_314] : memref<1x8xf32, #tpu.memory_space<vmem>>, vector<1x8xf32>
    tpu.vector_store %arg8[%swap3A_313, %swap3A_314], %mul3A_312 {strides = array<i32>} : memref<1x8xf32, #tpu.memory_space<vmem>>, vector<1x8xf32>,
    %mul3A_316 = arith.constant 4.8828125E-4 : f32
    %mul3A_317 = vector.broadcast %mul3A_316 : f32 to vector<1x8xf32>
    %mul3A_318 = arith.mulf %slice3A_123, %mul3A_317 : vector<1x8xf32>
    %swap3A_319 = arith.constant 0 : index
    %swap3A_320 = arith.constant 0 : index
    %swap3A_321 = vector.load %arg9[%swap3A_319, %swap3A_320] : memref<1x8xf32, #tpu.memory_space<vmem>>, vector<1x8xf32>
    tpu.vector_store %arg9[%swap3A_319, %swap3A_320], %mul3A_318 {strides = array<i32>} : memref<1x8xf32, #tpu.memory_space<vmem>>, vector<1x8xf32>,
    return
  }
}

</mosaic_0001>

<sc_bundles>
// kernel: kernel.6.cloned.1.call-start
scs
__scs_entry_jumppad:
0x0: {  	(pc) =	sbr.rel $0x88, $3  }
0x1: {  	(tag) =	ssettag $0x0;
	lr =	simm.s32 $0x1  }
0x2: {  	[smem:$0x3F96] =	sst lr;
	_ =	strace $0xD0000000  }
0x3: {  	_ = 	snop  }
0x4: {  	_ = 	snop  }
0x5: {  	_ = 	snop  }
0x6: {  	_ = 	snop  }
0x7: {  	_ = 	snop  }
__scs_overlays_trampoline_lowered:
0x8: {  	[smem:$0x3FA5] =	sst s0  }
0x9: {  	[smem:$0x3FA6] =	sst s1  }
0xa: {  	[smem:$0x3FA7] =	sst s2  }
0xb: {  	[smem:$0x3FA8] =	sst s3  }
0xc: {  	[smem:$0x3FA9] =	sst s4  }
0xd: {  	[smem:$0x3FAA] =	sst s5  }
0xe: {  	[smem:$0x3FAB] =	sst s6  }
0xf: {  	[smem:$0x3FAC] =	sst s7  }
0x10: {  	[smem:$0x3FAD] =	sst s8  }
0x11: {  	[smem:$0x3FAE] =	sst s9;
	s0 =	simm.s32 @!p0 $0x0  }
0x12: {  	s1 =	sld [smem:$0x3F94];
	s0 =	simm.s32 @p0 $0x1  }
0x13: {  	[smem:$0x3FAF] =	sst s0;
	s0 =	simm.s32 @!p1 $0x0  }
0x14: {  	s2 =	sld [smem:$0x3F93];
	s0 =	simm.s32 @p1 $0x1  }
0x15: {  	[smem:$0x3FB0] =	sst s0;
	s0 =	simm.s32 @!p2 $0x0  }
0x16: {  	s3 =	sld [smem:$0x3FDB];
	s0 =	simm.s32 @p2 $0x1  }
0x17: {  	s4 =	simm.s32 $0x1BF5;
	[smem:$0x3FB2] =	sst s0  }
0x18: {  	s0 =	sld [smem:$0x3F95];
	_ =	swait.ge [sflag:s4], $0x0  }
0x19: {  	s7 =	sld [smem:$0x3F96]  }
0x1a: {  	s8 =	sadd.s32 $0xFFFFE003, lr  }
0x1b: {  	s9 =	sadd.s32 $0xFFFFFEF7, lr;
	s5 =	simm.s32 $0xFFFFFFFF;
	p2 =	slt.u32 s8, $0xFFFFF086  }
0x1c: {  	p1 =	slt.u32 s9, $0xF7A;
	s5 =	simm.s32 @!p2 $0x0  }
0x1d: {  	s5 =	simm.s32 @p1 $0x1;
	p0 =	seq.s32 s7, s2  }
0x1e: {  	s7 =	smul.u32 @!p0 $0xF7A, s2;
	p2 =	seq.s32 @!p0 s5, $0x0  }
0x1f: {  	s9 =	smul.u32 $0xF7A, s1;
	s8 =	simm.s32 @!p0 $0x1BF5;
	p2 =	por !p2, p0  }
0x20: {  	[sflag:s8] =	ssyncset.s32 @!p0 $0xFFFFF086;
	s6 =	sadd.s32 @!p0 s3, s7;
	s7 =	simm.s32 @!p0 $0x108  }
0x21: {  	s3 =	sadd.s32 s3, s9;
	s6 =	sadd.s32 @!p0 $0x88, s6;
	s7 =	simm.s32 @p2 $0x1082  }
0x22: {  	[simem:s7], [sflag:s8] =	dma.local @!p0 [hbm:s6], $0xF7A  }
0x23: {  	s9 =	sor.u32 $0xD0000000, s2;
	s6 =	simm.s32 $0x108;
	_ =	swait.ge @!p0 [sflag:s8], $0x0  }
0x24: {  	s3 =	sadd.s32 $0x88, s3;
	s6 =	simm.s32 @!p1 $0x1082;
	[sflag:s4] =	ssyncset.s32 $0xFFFFF086  }
0x25: {  	[simem:s6], [sflag:s4] =	dma.local [hbm:s3], $0xF7A  }
0x26: {  	[smem:$0x3F96] =	sst s1;
	(tag) =	ssettag s2;
	_ =	strace s9  }
0x27: {  	s1 =	sld [smem:$0x3FA6]  }
0x28: {  	s2 =	sld [smem:$0x3FA7]  }
0x29: {  	s4 =	sld [smem:$0x3FA9]  }
0x2a: {  	p0 =	seq.s32 s5, $0x0;
	s5 =	sld [smem:$0x3FAA]  }
0x2b: {  	s6 =	sld [smem:$0x3FAB]  }
0x2c: {  	s7 =	sld [smem:$0x3FAC]  }
0x2d: {  	s3 =	simm.s32 $0x108;
	s8 =	sld [smem:$0x3FAD]  }
0x2e: {  	s3 =	simm.s32 @!p0 $0x1082;
	s9 =	sld [smem:$0x3FAE]  }
0x2f: {  	lr =	sadd.s32 s0, s3;
	s0 =	sld [smem:$0x3FA5]  }
0x30: {  	s3 =	sld [smem:$0x3FA8]  }
0x31: {  	[smem:$0x3FB1] =	sst s10  }
0x32: {  	s10 =	sld [smem:$0x3FAF];
	_ =	sdelay $0x3  }
0x33: {  	p0 =	seq.s32 s10, $0x1;
	s10 =	sld [smem:$0x3FB1];
	_ =	sdelay $0x3  }
0x34: {  	[smem:$0x3FB1] =	sst s10  }
0x35: {  	s10 =	sld [smem:$0x3FB0];
	_ =	sdelay $0x3  }
0x36: {  	p1 =	seq.s32 s10, $0x1;
	s10 =	sld [smem:$0x3FB1];
	_ =	sdelay $0x3  }
0x37: {  	[smem:$0x3FB1] =	sst s10  }
0x38: {  	s10 =	sld [smem:$0x3FB2]  }
0x39: {  	_ = 	snop;
	(pc) =	sbr.ind lr, $3  }
0x3a: {  	_ = 	snop  }
0x3b: {  	_ = 	snop  }
0x3c: {  	p2 =	seq.s32 s10, $0x1;
	s10 =	sld [smem:$0x3FB1]  }
0x3d: {  	_ =	shalt  }
0x3e: {  	_ =	shalt  }
0x3f: {  	_ =	shalt  }
0x40: {  	_ =	shalt  }
0x41: {  	_ =	shalt  }
0x42: {  	_ =	shalt  }
0x43: {  	_ =	shalt  }
0x44: {  	_ =	shalt  }
0x45: {  	_ =	shalt  }
0x46: {  	_ =	shalt  }
0x47: {  	_ =	shalt  }
0x48: {  	_ =	shalt  }
0x49: {  	_ =	shalt  }
0x4a: {  	_ =	shalt  }
0x4b: {  	_ =	shalt  }
0x4c: {  	_ =	shalt  }
0x4d: {  	_ =	shalt  }
0x4e: {  	_ =	shalt  }
0x4f: {  	_ =	shalt  }
0x50: {  	_ =	shalt  }
0x51: {  	_ =	shalt  }
0x52: {  	_ =	shalt  }
0x53: {  	_ =	shalt  }
0x54: {  	_ =	shalt  }
0x55: {  	_ =	shalt  }
0x56: {  	_ =	shalt  }
0x57: {  	_ =	shalt  }
0x58: {  	_ =	shalt  }
0x59: {  	_ =	shalt  }
0x5a: {  	_ =	shalt  }
0x5b: {  	_ =	shalt  }
0x5c: {  	_ =	shalt  }
0x5d: {  	_ =	shalt  }
0x5e: {  	_ =	shalt  }
0x5f: {  	_ =	shalt  }
0x60: {  	_ =	shalt  }
0x61: {  	_ =	shalt  }
0x62: {  	_ =	shalt  }
0x63: {  	_ =	shalt  }
0x64: {  	_ =	shalt  }
0x65: {  	_ =	shalt  }
0x66: {  	_ =	shalt  }
0x67: {  	_ =	shalt  }
0x68: {  	_ =	shalt  }
0x69: {  	_ =	shalt  }
0x6a: {  	_ =	shalt  }
0x6b: {  	_ =	shalt  }
0x6c: {  	_ =	shalt  }
0x6d: {  	_ =	shalt  }
0x6e: {  	_ =	shalt  }
0x6f: {  	_ =	shalt  }
0x70: {  	_ =	shalt  }
0x71: {  	_ =	shalt  }
0x72: {  	_ =	shalt  }
0x73: {  	_ =	shalt  }
0x74: {  	_ =	shalt  }
0x75: {  	_ =	shalt  }
0x76: {  	_ =	shalt  }
0x77: {  	_ =	shalt  }
0x78: {  	_ =	shalt  }
0x79: {  	_ =	shalt  }
0x7a: {  	_ =	shalt  }
0x7b: {  	_ =	shalt  }
0x7c: {  	_ =	shalt  }
0x7d: {  	_ =	shalt  }
0x7e: {  	_ =	shalt  }
0x7f: {  	_ =	shalt  }
0x80: {  	_ =	shalt  }
0x81: {  	_ =	shalt  }
0x82: {  	_ =	shalt  }
0x83: {  	_ =	shalt  }
0x84: {  	_ =	shalt  }
0x85: {  	_ =	shalt  }
0x86: {  	_ =	shalt  }
0x87: {  	_ =	shalt  }
.Lfunc_end0:
.L_simem_size_0:
called_computation_lowered:
.L_overlay_start_0:
0x88: {  	s2 =	sld [smem:$0x3FD9]  }
0x89: {  	s3 =	sld [smem:$0x3FFE];
	_ =	sdelay $0x1  }
0x8a: {  	s1 =	srdreg.scid  }
0x8b: {  	s0 =	sand.u32 $0x1, s1  }
0x8c: {  	s17 =	sshll.u32 s0, $0xA;
	s2 =	sadd.s32 s3, s2  }
0x8d: {  	s2 =	sadd.s32 s2, s17  }
0x8e: {  	[smem:$0x3FBD] =	sst s2  }
0x8f: {  	_ = 	snop  }
0x90: {  	s2 =	sld [smem:$0x3FC9];
	(tm) =	ssettm $0x1  }
0x91: {  	s18 =	sld [smem:$0x3FFB];
	_ =	sdelay $0x3  }
0x92: {  	_ =	strace s18  }
0x93: {  	s3 =	sld [smem:$0x3FFC];
	_ =	sdelay $0x3  }
0x94: {  	_ =	strace s3  }
0x95: {  	s3 =	sld [smem:$0x3FFD];
	_ =	sdelay $0x3  }
0x96: {  	_ =	strace s3  }
0x97: {  	_ =	strace $0x8FFFFFFF  }
0x98: {  	s19 =	sld [smem:$0x3FDB];
	_ =	sdelay $0x1  }
0x99: {  	s4 =	simm.s32 $_scs_section_size  }
0x9a: {  	s5 =	simm.s32 $_size__tile_overlayer_lowered;
	s6 =	simm.s32 $_tile_overlayer_lowered  }
0x9b: {  	s22 =	simm.s32 $0x1BFF;
	s21 =	sshll.u32 s6, $0x1;
	s3 =	sadd.s32 s4, s19  }
0x9c: {  	s7 =	simm.s32 $0x0;
	s20 =	sshll.u32 s5, $0x1;
	s5 =	sadd.s32 s21, s3  }
0x9d: {  	[timem:s7], [sflag:s22] =	dma.local [hbm:s5], s20  }
0x9e: {  	_ =	swait.ge [sflag:s22], s20  }
0x9f: {  	s4 =	ssub.s32 $0x0, s20;
	[sflag:s22] =	ssyncset.done $0x0  }
0xa0: {  	[sflag:s22] =	ssyncadd.s32 s4;
	_ =	sdelay $0x1  }
0xa1: {  	s23 =	simm.s32 $0x1B8B  }
0xa2: {  	_ =	swait.ge [sflag:s23], $0x1  }
0xa3: {  	[sflag:s23] =	ssyncset.done $0x0  }
0xa4: {  	s25 =	simm.s32 $0x1B8E;
	s24 =	sld [smem:$0x3FFE];
	[sflag:s23] =	ssyncadd.s32 $0xFFFFFFFF  }
0xa5: {  	s26 =	simm.s32 $execute0_lowered;
	[smem:$0x3FD2] =	sst s25  }
0xa6: {  	s5 =	sshll.u32 s26, $0x1;
	_ =	strace $0x80000046;
	[dreg:$0x1] =	wrdreg $0xFFFFFFFF  }
0xa7: {  	s28 =	simm.s32 $_size_execute0_lowered;
	s3 =	sadd.s32 s3, s5;
	[dreg:$0x0] =	wrdreg $0x0  }
0xa8: {  	s5 =	sshll.u32 s28, $0x1;
	[dreg:$0x2] =	wrdreg s3  }
0xa9: {  	[dreg:$0x3] =	wrdreg s5  }
0xaa: {  	[dreg:$0x4] =	wrdreg $0xC0  }
0xab: {  	_ =	task [dreg:s7], $0x5FFFF  }
0xac: {  	[dreg:$0x1] =	wrdreg $0xFFFFFFFF  }
0xad: {  	[dreg:$0x0] =	wrdreg $0x60  }
0xae: {  	[dreg:$0x2] =	wrdreg s2  }
0xaf: {  	[dreg:$0x3] =	wrdreg s24  }
0xb0: {  	[dreg:$0x4] =	wrdreg $0x9  }
0xb1: {  	_ =	task.clear_ibuf [dreg:s7], $0x5FFFF;
	_ =	strace $0x90000046  }
0xb2: {  	s29 =	simm.s32 $0x9;
	_ =	strace $0x80000048  }
0xb3: {  	_ =	swait.ge [sflag:s29], $0x1  }
0xb4: {  	[sflag:s29] =	ssyncadd.s32 $0xFFFFFFFF  }
0xb5: {  	_ =	strace $0x90000048  }
0xb6: {  	_ =	sfence  }
0xb7: {  	s30 =	sld [smem:$0x0];
	_ =	sdelay $0x2  }
0xb8: {  	s31 =	sshll.u32 s1, $0xD;
	s1 =	sshrl.u32 s1, $0x2  }
0xb9: {  	s3 =	sand.u32 $0x4000, s31;
	s1 =	sadd.s32 s1, s30  }
0xba: {  	s0 =	sor.u32 s3, s0;
	s1 =	sshll.u32 s1, $0x11  }
0xbb: {  	s0 =	sor.u32 s1, s0  }
0xbc: {  	s0 =	sadd.s32 $0x8F2B, s0  }
0xbd: {  	[sflag:s0] =	ssyncadd.remote.s32 $0x1  }
0xbe: {  	_ =	sfence.sel $0xFFFF  }
0xbf: {  	[dreg:$0x0] =	wrdreg $0xFFFFFFFF;
	(pc) =	sbr.abs _section_cstart, $3  }
0xc0: {  	[dreg:$0x1] =	wrdreg $0xFFFFFFFF  }
0xc1: {  	_ =	task.clear_ibuf [dreg:s7], $0x2FFFF;
	_ =	strace $0x9FFFFFFF  }
0xc2: {  	(tm) =	ssettm $0x7FFFFFFF  }
0xc3: {  	_ =	shalt  }
tec
execute0_lowered:
.L_overlay_start_1:
0x0: {  	(tag) =	ssettag $0x1  }
0x1: {  	s1 =	srdreg.scid  }
0x2: {  	s3 =	rddreg [dreg:$0x0];
	s0 =	stileid.u32  }
0x3: {  	s5 =	rddreg [dreg:$0x1];
	s2 =	simm.s32 $0x0;
	s8 =	simm.s32 $0x80  }
0x4: {  	s26 =	simm.s32 $0x880;
	s9 =	simm.s32 $0x1080;
	s10 =	simm.s32 $0x1880  }
0x5: {  	s11 =	simm.s32 $0x2080;
	s12 =	simm.s32 $0x2880;
	s13 =	simm.s32 $0x3080  }
0x6: {  	s14 =	simm.s32 $0x3880;
	s15 =	simm.s32 $0x4080;
	s16 =	simm.s32 $0x4880  }
0x7: {  	s17 =	simm.s32 $0x5080;
	s18 =	simm.s32 $0x5880;
	s19 =	simm.s32 $0x6080  }
0x8: {  	s20 =	simm.s32 $0x6880;
	s21 =	simm.s32 $0x7080;
	s22 =	simm.s32 $0x7880  }
0x9: {  	s23 =	simm.s32 $0x8080;
	s24 =	simm.s32 $0x8880;
	s25 =	simm.s32 $0x9080  }
0xa: {  	s28 =	simm.s32 $0xA080;
	s29 =	simm.s32 $0xA880;
	s30 =	simm.s32 $0xB080  }
0xb: {  	s31 =	simm.s32 $0xB880;
	s1 =	sand.u32 $0x1, s1;
	[smem:$0x7FF] =	sst s2  }
0xc: {  	s4 =	sshll.u32 s0, $0x4;
	s6 =	sshll.u32 s1, $0x3;
	_ =	strace $0x80000047  }
0xd: {  	s1 =	ssub.s32 $0x2, s1;
	[dreg:$0x5] =	wrdreg s26;
	s4 =	sor.u32 s6, s4  }
0xe: {  	s7 =	sshrl.u32 s1, $0x1;
	s6 =	sadd.s32 s4, s5;
	s4 =	smul.u32 $0x300, s4  }
0xf: {  	s26 =	simm.s32 $0x9880;
	s1 =	ssub.s32 s1, s7;
	s6 =	sadd.s32 $0x19C00, s6  }
0x10: {  	v2 =	vlaneseq.u32;
	s7 =	simm.s32 $0x2;
	[dreg:$0x3] =	wrdreg s6;
	s4 =	sadd.s32 s3, s4  }
0x11: {  	vm0 =	vmmov $0xffff;
	v1 =	vshrl.u32 v2, $0x3;
	s3 =	sadd.s32 $0x19E00, s5;
	s6 =	smax.u32 s1, $0x1;
	s1 =	simm.s32 $0x1  }
0x12: {  	v0 =	vand.u32 $0x7, v2;
	v2 =	vor.u32 $0x8, v2;
	v1 =	vmul.u32 $0x8, v1;
	[dreg:$0x4] =	wrdreg s4;
	s4 =	sadd.s32 $0x19F00, s5;
	s5 =	sadd.s32 $0x1A000, s5  }
.LBB2_1:
0x13: {  	s0 =	rddreg [dreg:$0x3]  }
0x14: {  	[tilespmem:s2], [sflag:$0x2] =	stream.linear.gather [hbm4b:s0+s2], $0x40, $0x38;
	[tilespmem:$0xC080] =	vst v63  }
0x15: {  	_ =	swait.ge [sflag:s7], $0x40  }
0x16: {  	[sflag:s7] =	ssyncset.done $0x0  }
0x17: {  	s0 =	rddreg [dreg:$0x4];
	[sflag:s7] =	ssyncadd.s32 $0xFFFFFFC0  }
0x18: {  	[tilespmem:s8], [sflag:$0x2] =	stream.linear.gather [hbm4b:s0+s2], $0xC000, $0x38;
	[tilespmem:$0xC080] =	vst v63  }
0x19: {  	_ =	swait.ge [sflag:s7], $0xC000  }
0x1a: {  	[sflag:s7] =	ssyncset.done $0x0  }
0x1b: {  	[sflag:s7] =	ssyncadd.s32 $0xFFFF4000  }
0x1c: {  	v3 =	vld [tilespmem:$0x0];
	_ =	sdelay $0x4  }
0x1d: {  	v4 =	vshrl.u32 v3, $0x3  }
0x1e: {  	v4 =	vmul.u32 $0x30, v4  }
0x1f: {  	v3 =	vand.u32 $0x7, v3  }
0x20: {  	v3 =	vor.u32 v3, v4  }
0x21: {  	v4 =	vperm.xlane v3, v0;
	_ =	sdelay $0x1  }
0x22: {  	v4 =	vadd.s32 v1, v4;
	_ =	sdelay $0x3  }
0x23: {  	v3 =	vperm.xlane v3, v2  }
0x24: {  	[hbm4b:s3+s2] =	stream.indirect_vreg.scatter [tilespmem:s8], [sflag:$0x1], $0x80, v4, vm0, $0xb8;
	[tilespmem:$0xC080] =	vst v63  }
0x25: {  	s0 =	rddreg [dreg:$0x5];
	v3 =	vadd.s32 v1, v3  }
0x26: {  	[hbm4b:s4+s2] =	stream.indirect_vreg.scatter [tilespmem:s0], [sflag:$0x1], $0x80, v4, vm0, $0xb8;
	[tilespmem:$0xC080] =	vst v63  }
0x27: {  	_ = 	snop  }
0x28: {  	[hbm4b:s5+s2] =	stream.indirect_vreg.scatter [tilespmem:s9], [sflag:$0x1], $0x80, v4, vm0, $0xb8;
	[tilespmem:$0xC080] =	vst v63  }
0x29: {  	_ = 	snop  }
0x2a: {  	[hbm4b:s3+s2] =	stream.indirect_vreg.scatter [tilespmem:s10], [sflag:$0x1], $0x80, v3, vm0, $0xb8;
	[tilespmem:$0xC080] =	vst v63  }
0x2b: {  	_ = 	snop  }
0x2c: {  	[hbm4b:s4+s2] =	stream.indirect_vreg.scatter [tilespmem:s11], [sflag:$0x1], $0x80, v3, vm0, $0xb8;
	[tilespmem:$0xC080] =	vst v63  }
0x2d: {  	_ = 	snop  }
0x2e: {  	[hbm4b:s5+s2] =	stream.indirect_vreg.scatter [tilespmem:s12], [sflag:$0x1], $0x80, v3, vm0, $0xb8;
	[tilespmem:$0xC080] =	vst v63  }
0x2f: {  	v3 =	vld [tilespmem:$0x10];
	_ =	sdelay $0x4  }
0x30: {  	v61 =	vshrl.u32 v3, $0x3  }
0x31: {  	v4 =	vmul.u32 $0x30, v61  }
0x32: {  	v3 =	vand.u32 $0x7, v3  }
0x33: {  	v3 =	vor.u32 v3, v4  }
0x34: {  	v4 =	vperm.xlane v3, v0;
	_ =	sdelay $0x1  }
0x35: {  	v4 =	vadd.s32 v1, v4;
	_ =	sdelay $0x3  }
0x36: {  	v3 =	vperm.xlane v3, v2  }
0x37: {  	[hbm4b:s3+s2] =	stream.indirect_vreg.scatter [tilespmem:s13], [sflag:$0x1], $0x80, v4, vm0, $0xb8;
	[tilespmem:$0xC080] =	vst v63  }
0x38: {  	v3 =	vadd.s32 v1, v3  }
0x39: {  	[hbm4b:s4+s2] =	stream.indirect_vreg.scatter [tilespmem:s14], [sflag:$0x1], $0x80, v4, vm0, $0xb8;
	[tilespmem:$0xC080] =	vst v63  }
0x3a: {  	_ = 	snop  }
0x3b: {  	[hbm4b:s5+s2] =	stream.indirect_vreg.scatter [tilespmem:s15], [sflag:$0x1], $0x80, v4, vm0, $0xb8;
	[tilespmem:$0xC080] =	vst v63  }
0x3c: {  	_ = 	snop  }
0x3d: {  	[hbm4b:s3+s2] =	stream.indirect_vreg.scatter [tilespmem:s16], [sflag:$0x1], $0x80, v3, vm0, $0xb8;
	[tilespmem:$0xC080] =	vst v63  }
0x3e: {  	_ = 	snop  }
0x3f: {  	[hbm4b:s4+s2] =	stream.indirect_vreg.scatter [tilespmem:s17], [sflag:$0x1], $0x80, v3, vm0, $0xb8;
	[tilespmem:$0xC080] =	vst v63  }
0x40: {  	_ = 	snop  }
0x41: {  	[hbm4b:s5+s2] =	stream.indirect_vreg.scatter [tilespmem:s18], [sflag:$0x1], $0x80, v3, vm0, $0xb8;
	[tilespmem:$0xC080] =	vst v63  }
0x42: {  	v3 =	vld [tilespmem:$0x20];
	_ =	sdelay $0x4  }
0x43: {  	v62 =	vshrl.u32 v3, $0x3  }
0x44: {  	v4 =	vmul.u32 $0x30, v62  }
0x45: {  	v3 =	vand.u32 $0x7, v3  }
0x46: {  	v3 =	vor.u32 v3, v4  }
0x47: {  	v4 =	vperm.xlane v3, v0;
	_ =	sdelay $0x1  }
0x48: {  	v4 =	vadd.s32 v1, v4;
	_ =	sdelay $0x3  }
0x49: {  	v3 =	vperm.xlane v3, v2  }
0x4a: {  	[hbm4b:s3+s2] =	stream.indirect_vreg.scatter [tilespmem:s19], [sflag:$0x1], $0x80, v4, vm0, $0xb8;
	[tilespmem:$0xC080] =	vst v63  }
0x4b: {  	v3 =	vadd.s32 v1, v3  }
0x4c: {  	[hbm4b:s4+s2] =	stream.indirect_vreg.scatter [tilespmem:s20], [sflag:$0x1], $0x80, v4, vm0, $0xb8;
	[tilespmem:$0xC080] =	vst v63  }
0x4d: {  	_ = 	snop  }
0x4e: {  	[hbm4b:s5+s2] =	stream.indirect_vreg.scatter [tilespmem:s21], [sflag:$0x1], $0x80, v4, vm0, $0xb8;
	[tilespmem:$0xC080] =	vst v63  }
0x4f: {  	_ = 	snop  }
0x50: {  	[hbm4b:s3+s2] =	stream.indirect_vreg.scatter [tilespmem:s22], [sflag:$0x1], $0x80, v3, vm0, $0xb8;
	[tilespmem:$0xC080] =	vst v63  }
0x51: {  	_ = 	snop  }
0x52: {  	[hbm4b:s4+s2] =	stream.indirect_vreg.scatter [tilespmem:s23], [sflag:$0x1], $0x80, v3, vm0, $0xb8;
	[tilespmem:$0xC080] =	vst v63  }
0x53: {  	_ = 	snop  }
0x54: {  	[hbm4b:s5+s2] =	stream.indirect_vreg.scatter [tilespmem:s24], [sflag:$0x1], $0x80, v3, vm0, $0xb8;
	[tilespmem:$0xC080] =	vst v63  }
0x55: {  	v3 =	vld [tilespmem:$0x30];
	_ =	sdelay $0x4  }
0x56: {  	v63 =	vshrl.u32 v3, $0x3  }
0x57: {  	v4 =	vmul.u32 $0x30, v63  }
0x58: {  	v3 =	vand.u32 $0x7, v3  }
0x59: {  	v3 =	vor.u32 v3, v4  }
0x5a: {  	v4 =	vperm.xlane v3, v0;
	_ =	sdelay $0x1  }
0x5b: {  	v4 =	vadd.s32 v1, v4;
	_ =	sdelay $0x3  }
0x5c: {  	v3 =	vperm.xlane v3, v2  }
0x5d: {  	[hbm4b:s3+s2] =	stream.indirect_vreg.scatter [tilespmem:s25], [sflag:$0x1], $0x80, v4, vm0, $0xb8;
	[tilespmem:$0xC080] =	vst v63  }
0x5e: {  	v3 =	vadd.s32 v1, v3  }
0x5f: {  	[hbm4b:s4+s2] =	stream.indirect_vreg.scatter [tilespmem:s26], [sflag:$0x1], $0x80, v4, vm0, $0xb8;
	[tilespmem:$0xC080] =	vst v63  }
0x60: {  	_ = 	snop  }
0x61: {  	[hbm4b:s5+s2] =	stream.indirect_vreg.scatter [tilespmem:s28], [sflag:$0x1], $0x80, v4, vm0, $0xb8;
	[tilespmem:$0xC080] =	vst v63  }
0x62: {  	_ = 	snop  }
0x63: {  	[hbm4b:s3+s2] =	stream.indirect_vreg.scatter [tilespmem:s29], [sflag:$0x1], $0x80, v3, vm0, $0xb8;
	[tilespmem:$0xC080] =	vst v63  }
0x64: {  	p0 =	sne.s32 s6, $0x1  }
0x65: {  	[hbm4b:s4+s2] =	stream.indirect_vreg.scatter [tilespmem:s30], [sflag:$0x1], $0x80, v3, vm0, $0xb8;
	[tilespmem:$0xC080] =	vst v63  }
.Ltmp0:
0x66: {  	_ = 	snop;
	(pc) =	sbr.rel @p0 .LBB2_1-.Ltmp0, $4  }
0x67: {  	[hbm4b:s5+s2] =	stream.indirect_vreg.scatter [tilespmem:s31], [sflag:$0x1], $0x80, v3, vm0, $0xb8;
	[tilespmem:$0xC080] =	vst v63  }
0x68: {  	_ =	swait.ge [sflag:s1], $0xC000  }
0x69: {  	[sflag:s1] =	ssyncset.done $0x0  }
0x6a: {  	s6 =	sadd.s32 $0xFFFFFFFF, s6;
	[sflag:s1] =	ssyncadd.s32 $0xFFFF4000  }
0x6b: {  	_ =	sfence.sel $0x180000  }
0x6c: {  	[bflag:$0x0] =	sbarrier.arrive $0xFFFF  }
0x6d: {  	_ =	strace $0x90000047  }
0x6e: {  	s0 =	stileid.u32;
	[bflag:$0x2] =	sbarrier.arrive $0xFFFF  }
0x6f: {  	p0 =	sne.s32 s0, $0x0;
	s0 =	rddreg [dreg:$0x2]  }
0x70: {  	s0 =	sadd.s32 @!p0 $0x100000, s0  }
0x71: {  	[sflag:s0] =	ssyncadd.tile.s32 @!p0 $0x1;
	_ =	shalt  }
.Lfunc_end2:
_tile_overlayer_lowered:
.L_overlay_start_2:
0x72: {  	(tag) =	ssettag $0x2  }
0x73: {  	s0 =	rddreg [dreg:$0x0];
	s2 =	stileid.u32  }
0x74: {  	s1 =	rddreg [dreg:$0x1];
	p0 =	sne.s32 s2, $0x0  }
0x75: {  	s3 =	rddreg [dreg:$0x2];
	[bflag:$0x3] =	sbarrier.arrive $0xFFFF;
	s2 =	simm.s32 @!p0 $0x1C02  }
0x76: {  	[timem:s3], [sflag:s2] =	dma.local @!p0 [hbm:s0], s1  }
0x77: {  	s0 =	simm.s32 @!p0 $0x2  }
0x78: {  	_ =	swait.ge @!p0 [sflag:s0], s1  }
0x79: {  	s1 =	ssub.s32 @!p0 $0x0, s1;
	[sflag:s0] =	ssyncset.done @!p0 $0x0  }
0x7a: {  	[sflag:s0] =	ssyncadd.s32 @!p0 s1  }
0x7b: {  	[bflag:$0x3] =	sbarrier.arrive $0xFFFF  }
0x7c: {  	_ =	shalt  }

// kernel: kernel.9.cloned.1.call-start
scs
__scs_entry_jumppad:
0x0: {  	(pc) =	sbr.rel $0x88, $3  }
0x1: {  	(tag) =	ssettag $0x0;
	lr =	simm.s32 $0x1  }
0x2: {  	[smem:$0x3F96] =	sst lr;
	_ =	strace $0xD0000000  }
0x3: {  	_ = 	snop  }
0x4: {  	_ = 	snop  }
0x5: {  	_ = 	snop  }
0x6: {  	_ = 	snop  }
0x7: {  	_ = 	snop  }
__scs_overlays_trampoline_lowered:
0x8: {  	[smem:$0x3FA5] =	sst s0  }
0x9: {  	[smem:$0x3FA6] =	sst s1  }
0xa: {  	[smem:$0x3FA7] =	sst s2  }
0xb: {  	[smem:$0x3FA8] =	sst s3  }
0xc: {  	[smem:$0x3FA9] =	sst s4  }
0xd: {  	[smem:$0x3FAA] =	sst s5  }
0xe: {  	[smem:$0x3FAB] =	sst s6  }
0xf: {  	[smem:$0x3FAC] =	sst s7  }
0x10: {  	[smem:$0x3FAD] =	sst s8  }
0x11: {  	[smem:$0x3FAE] =	sst s9;
	s0 =	simm.s32 @!p0 $0x0  }
0x12: {  	s1 =	sld [smem:$0x3F94];
	s0 =	simm.s32 @p0 $0x1  }
0x13: {  	[smem:$0x3FAF] =	sst s0;
	s0 =	simm.s32 @!p1 $0x0  }
0x14: {  	s2 =	sld [smem:$0x3F93];
	s0 =	simm.s32 @p1 $0x1  }
0x15: {  	[smem:$0x3FB0] =	sst s0;
	s0 =	simm.s32 @!p2 $0x0  }
0x16: {  	s3 =	sld [smem:$0x3FDB];
	s0 =	simm.s32 @p2 $0x1  }
0x17: {  	s4 =	simm.s32 $0x1BF5;
	[smem:$0x3FB2] =	sst s0  }
0x18: {  	s0 =	sld [smem:$0x3F95];
	_ =	swait.ge [sflag:s4], $0x0  }
0x19: {  	s7 =	sld [smem:$0x3F96]  }
0x1a: {  	s8 =	sadd.s32 $0xFFFFE003, lr  }
0x1b: {  	s9 =	sadd.s32 $0xFFFFFEF7, lr;
	s5 =	simm.s32 $0xFFFFFFFF;
	p2 =	slt.u32 s8, $0xFFFFF086  }
0x1c: {  	p1 =	slt.u32 s9, $0xF7A;
	s5 =	simm.s32 @!p2 $0x0  }
0x1d: {  	s5 =	simm.s32 @p1 $0x1;
	p0 =	seq.s32 s7, s2  }
0x1e: {  	s7 =	smul.u32 @!p0 $0xF7A, s2;
	p2 =	seq.s32 @!p0 s5, $0x0  }
0x1f: {  	s9 =	smul.u32 $0xF7A, s1;
	s8 =	simm.s32 @!p0 $0x1BF5;
	p2 =	por !p2, p0  }
0x20: {  	[sflag:s8] =	ssyncset.s32 @!p0 $0xFFFFF086;
	s6 =	sadd.s32 @!p0 s3, s7;
	s7 =	simm.s32 @!p0 $0x108  }
0x21: {  	s3 =	sadd.s32 s3, s9;
	s6 =	sadd.s32 @!p0 $0x88, s6;
	s7 =	simm.s32 @p2 $0x1082  }
0x22: {  	[simem:s7], [sflag:s8] =	dma.local @!p0 [hbm:s6], $0xF7A  }
0x23: {  	s9 =	sor.u32 $0xD0000000, s2;
	s6 =	simm.s32 $0x108;
	_ =	swait.ge @!p0 [sflag:s8], $0x0  }
0x24: {  	s3 =	sadd.s32 $0x88, s3;
	s6 =	simm.s32 @!p1 $0x1082;
	[sflag:s4] =	ssyncset.s32 $0xFFFFF086  }
0x25: {  	[simem:s6], [sflag:s4] =	dma.local [hbm:s3], $0xF7A  }
0x26: {  	[smem:$0x3F96] =	sst s1;
	(tag) =	ssettag s2;
	_ =	strace s9  }
0x27: {  	s1 =	sld [smem:$0x3FA6]  }
0x28: {  	s2 =	sld [smem:$0x3FA7]  }
0x29: {  	s4 =	sld [smem:$0x3FA9]  }
0x2a: {  	p0 =	seq.s32 s5, $0x0;
	s5 =	sld [smem:$0x3FAA]  }
0x2b: {  	s6 =	sld [smem:$0x3FAB]  }
0x2c: {  	s7 =	sld [smem:$0x3FAC]  }
0x2d: {  	s3 =	simm.s32 $0x108;
	s8 =	sld [smem:$0x3FAD]  }
0x2e: {  	s3 =	simm.s32 @!p0 $0x1082;
	s9 =	sld [smem:$0x3FAE]  }
0x2f: {  	lr =	sadd.s32 s0, s3;
	s0 =	sld [smem:$0x3FA5]  }
0x30: {  	s3 =	sld [smem:$0x3FA8]  }
0x31: {  	[smem:$0x3FB1] =	sst s10  }
0x32: {  	s10 =	sld [smem:$0x3FAF];
	_ =	sdelay $0x3  }
0x33: {  	p0 =	seq.s32 s10, $0x1;
	s10 =	sld [smem:$0x3FB1];
	_ =	sdelay $0x3  }
0x34: {  	[smem:$0x3FB1] =	sst s10  }
0x35: {  	s10 =	sld [smem:$0x3FB0];
	_ =	sdelay $0x3  }
0x36: {  	p1 =	seq.s32 s10, $0x1;
	s10 =	sld [smem:$0x3FB1];
	_ =	sdelay $0x3  }
0x37: {  	[smem:$0x3FB1] =	sst s10  }
0x38: {  	s10 =	sld [smem:$0x3FB2]  }
0x39: {  	_ = 	snop;
	(pc) =	sbr.ind lr, $3  }
0x3a: {  	_ = 	snop  }
0x3b: {  	_ = 	snop  }
0x3c: {  	p2 =	seq.s32 s10, $0x1;
	s10 =	sld [smem:$0x3FB1]  }
0x3d: {  	_ =	shalt  }
0x3e: {  	_ =	shalt  }
0x3f: {  	_ =	shalt  }
0x40: {  	_ =	shalt  }
0x41: {  	_ =	shalt  }
0x42: {  	_ =	shalt  }
0x43: {  	_ =	shalt  }
0x44: {  	_ =	shalt  }
0x45: {  	_ =	shalt  }
0x46: {  	_ =	shalt  }
0x47: {  	_ =	shalt  }
0x48: {  	_ =	shalt  }
0x49: {  	_ =	shalt  }
0x4a: {  	_ =	shalt  }
0x4b: {  	_ =	shalt  }
0x4c: {  	_ =	shalt  }
0x4d: {  	_ =	shalt  }
0x4e: {  	_ =	shalt  }
0x4f: {  	_ =	shalt  }
0x50: {  	_ =	shalt  }
0x51: {  	_ =	shalt  }
0x52: {  	_ =	shalt  }
0x53: {  	_ =	shalt  }
0x54: {  	_ =	shalt  }
0x55: {  	_ =	shalt  }
0x56: {  	_ =	shalt  }
0x57: {  	_ =	shalt  }
0x58: {  	_ =	shalt  }
0x59: {  	_ =	shalt  }
0x5a: {  	_ =	shalt  }
0x5b: {  	_ =	shalt  }
0x5c: {  	_ =	shalt  }
0x5d: {  	_ =	shalt  }
0x5e: {  	_ =	shalt  }
0x5f: {  	_ =	shalt  }
0x60: {  	_ =	shalt  }
0x61: {  	_ =	shalt  }
0x62: {  	_ =	shalt  }
0x63: {  	_ =	shalt  }
0x64: {  	_ =	shalt  }
0x65: {  	_ =	shalt  }
0x66: {  	_ =	shalt  }
0x67: {  	_ =	shalt  }
0x68: {  	_ =	shalt  }
0x69: {  	_ =	shalt  }
0x6a: {  	_ =	shalt  }
0x6b: {  	_ =	shalt  }
0x6c: {  	_ =	shalt  }
0x6d: {  	_ =	shalt  }
0x6e: {  	_ =	shalt  }
0x6f: {  	_ =	shalt  }
0x70: {  	_ =	shalt  }
0x71: {  	_ =	shalt  }
0x72: {  	_ =	shalt  }
0x73: {  	_ =	shalt  }
0x74: {  	_ =	shalt  }
0x75: {  	_ =	shalt  }
0x76: {  	_ =	shalt  }
0x77: {  	_ =	shalt  }
0x78: {  	_ =	shalt  }
0x79: {  	_ =	shalt  }
0x7a: {  	_ =	shalt  }
0x7b: {  	_ =	shalt  }
0x7c: {  	_ =	shalt  }
0x7d: {  	_ =	shalt  }
0x7e: {  	_ =	shalt  }
0x7f: {  	_ =	shalt  }
0x80: {  	_ =	shalt  }
0x81: {  	_ =	shalt  }
0x82: {  	_ =	shalt  }
0x83: {  	_ =	shalt  }
0x84: {  	_ =	shalt  }
0x85: {  	_ =	shalt  }
0x86: {  	_ =	shalt  }
0x87: {  	_ =	shalt  }
.Lfunc_end0:
.L_simem_size_0:
called_computation.1_lowered:
.L_overlay_start_0:
0x88: {  	s2 =	sld [smem:$0x3FD9]  }
0x89: {  	s3 =	sld [smem:$0x3FFE];
	_ =	sdelay $0x1  }
0x8a: {  	s1 =	srdreg.scid  }
0x8b: {  	s0 =	sand.u32 $0x1, s1  }
0x8c: {  	s14 =	sshll.u32 s0, $0xA;
	s2 =	sadd.s32 s3, s2  }
0x8d: {  	s2 =	sadd.s32 s2, s14  }
0x8e: {  	[smem:$0x3FBD] =	sst s2  }
0x8f: {  	_ = 	snop  }
0x90: {  	s2 =	sld [smem:$0x3FD0];
	_ =	sdelay $0x2  }
0x91: {  	s15 =	simm.s32 $0xA;
	s4 =	simm.s32 $0x10  }
0x92: {  	[smem:s4], [sflag:s15] =	dma.local [hbm:s2], $0x1  }
0x93: {  	_ =	swait.eq [sflag:s15], $0x1  }
0x94: {  	[sflag:s15] =	ssyncset.done $0x0  }
0x95: {  	[sflag:s15] =	ssyncadd.s32 $0xFFFFFFFF  }
0x96: {  	s16 =	sld [smem:$0x10];
	(tm) =	ssettm $0x1  }
0x97: {  	s17 =	sld [smem:$0x3FFB];
	_ =	sdelay $0x3  }
0x98: {  	_ =	strace s17  }
0x99: {  	s3 =	sld [smem:$0x3FFC];
	_ =	sdelay $0x3  }
0x9a: {  	_ =	strace s3  }
0x9b: {  	s3 =	sld [smem:$0x3FFD];
	_ =	sdelay $0x3  }
0x9c: {  	_ =	strace s3  }
0x9d: {  	_ =	strace $0x8FFFFFFF  }
0x9e: {  	s18 =	sld [smem:$0x3FDB];
	_ =	sdelay $0x1  }
0x9f: {  	s19 =	simm.s32 $_scs_section_size  }
0xa0: {  	s5 =	simm.s32 $_size__tile_overlayer_lowered;
	s6 =	simm.s32 $_tile_overlayer_lowered  }
0xa1: {  	s22 =	simm.s32 $0x1BFF;
	s21 =	sshll.u32 s6, $0x1;
	s3 =	sadd.s32 s19, s18  }
0xa2: {  	s7 =	simm.s32 $0x0;
	s20 =	sshll.u32 s5, $0x1;
	s5 =	sadd.s32 s21, s3  }
0xa3: {  	[timem:s7], [sflag:s22] =	dma.local [hbm:s5], s20  }
0xa4: {  	_ =	swait.ge [sflag:s22], s20  }
0xa5: {  	s4 =	ssub.s32 $0x0, s20;
	[sflag:s22] =	ssyncset.done $0x0  }
0xa6: {  	[sflag:s22] =	ssyncadd.s32 s4;
	_ =	sdelay $0x1  }
0xa7: {  	s23 =	simm.s32 $0x1B8B  }
0xa8: {  	_ =	swait.ge [sflag:s23], $0x1  }
0xa9: {  	[sflag:s23] =	ssyncset.done $0x0  }
0xaa: {  	s25 =	simm.s32 $0x1B8E;
	s24 =	sld [smem:$0x3FFE];
	[sflag:s23] =	ssyncadd.s32 $0xFFFFFFFF  }
0xab: {  	s26 =	simm.s32 $execute0_lowered;
	[smem:$0x3FD2] =	sst s25  }
0xac: {  	s5 =	sshll.u32 s26, $0x1;
	_ =	strace $0x80000049;
	[dreg:$0x1] =	wrdreg $0xFFFFFFFF  }
0xad: {  	s28 =	simm.s32 $_size_execute0_lowered;
	s3 =	sadd.s32 s3, s5;
	[dreg:$0x0] =	wrdreg $0x0  }
0xae: {  	s5 =	sshll.u32 s28, $0x1;
	[dreg:$0x2] =	wrdreg s3  }
0xaf: {  	[dreg:$0x3] =	wrdreg s5  }
0xb0: {  	[dreg:$0x4] =	wrdreg $0xC0  }
0xb1: {  	_ =	task [dreg:s7], $0x5FFFF  }
0xb2: {  	[dreg:$0x1] =	wrdreg $0xFFFFFFFF  }
0xb3: {  	[dreg:$0x0] =	wrdreg $0x60  }
0xb4: {  	[dreg:$0x2] =	wrdreg s24  }
0xb5: {  	[dreg:$0x3] =	wrdreg s16  }
0xb6: {  	[dreg:$0x4] =	wrdreg $0x9  }
0xb7: {  	_ =	task.clear_ibuf [dreg:s7], $0x5FFFF;
	_ =	strace $0x90000049  }
0xb8: {  	s29 =	simm.s32 $0x9;
	_ =	strace $0x8000004B  }
0xb9: {  	_ =	swait.ge [sflag:s29], $0x1  }
0xba: {  	[sflag:s29] =	ssyncadd.s32 $0xFFFFFFFF  }
0xbb: {  	_ =	strace $0x9000004B  }
0xbc: {  	_ =	sfence  }
0xbd: {  	s30 =	sld [smem:$0x0];
	_ =	sdelay $0x2  }
0xbe: {  	s31 =	sshll.u32 s1, $0xD;
	s1 =	sshrl.u32 s1, $0x2  }
0xbf: {  	s3 =	sand.u32 $0x4000, s31;
	s1 =	sadd.s32 s1, s30  }
0xc0: {  	s0 =	sor.u32 s3, s0;
	s1 =	sshll.u32 s1, $0x11  }
0xc1: {  	s0 =	sor.u32 s1, s0  }
0xc2: {  	s0 =	sadd.s32 $0x8F2B, s0  }
0xc3: {  	[sflag:s0] =	ssyncadd.remote.s32 $0x1  }
0xc4: {  	_ =	sfence.sel $0xFFFF  }
0xc5: {  	[dreg:$0x0] =	wrdreg $0xFFFFFFFF;
	(pc) =	sbr.abs _section_cstart, $3  }
0xc6: {  	[dreg:$0x1] =	wrdreg $0xFFFFFFFF  }
0xc7: {  	_ =	task.clear_ibuf [dreg:s7], $0x2FFFF;
	_ =	strace $0x9FFFFFFF  }
0xc8: {  	(tm) =	ssettm $0x7FFFFFFF  }
0xc9: {  	_ =	shalt  }
tec
execute0_lowered:
.L_overlay_start_1:
0x0: {  	(tag) =	ssettag $0x1  }
0x1: {  	s0 =	rddreg [dreg:$0x0]  }
0x2: {  	s5 =	rddreg [dreg:$0x1];
	s3 =	srdreg.scid  }
0x3: {  	s2 =	simm.s32 $0x0;
	s1 =	stileid.u32;
	s26 =	simm.s32 $0x880  }
0x4: {  	s10 =	simm.s32 $0x1880;
	s11 =	simm.s32 $0x2080;
	s12 =	simm.s32 $0x2880  }
0x5: {  	s13 =	simm.s32 $0x3080;
	s14 =	simm.s32 $0x3880;
	s15 =	simm.s32 $0x4080  }
0x6: {  	s16 =	simm.s32 $0x4880;
	s17 =	simm.s32 $0x5080;
	s18 =	simm.s32 $0x5880  }
0x7: {  	s19 =	simm.s32 $0x6080;
	s20 =	simm.s32 $0x6880;
	s21 =	simm.s32 $0x7080  }
0x8: {  	s22 =	simm.s32 $0x7880;
	s28 =	simm.s32 $0xA080;
	s29 =	simm.s32 $0xA880  }
0x9: {  	s30 =	simm.s32 $0xB080;
	s31 =	simm.s32 $0xB880;
	s3 =	sand.u32 $0x1, s3  }
0xa: {  	[smem:$0x7FF] =	sst s2;
	s4 =	sshll.u32 s1, $0x4;
	s6 =	sshll.u32 s3, $0x3  }
0xb: {  	_ =	strace $0x8000004A;
	s23 =	ssub.s32 $0x2, s3;
	s3 =	sadd.s32 $0x7B600, s0  }
0xc: {  	[dreg:$0x5] =	wrdreg s26;
	s26 =	simm.s32 $0x9880;
	s4 =	sor.u32 s6, s4  }
0xd: {  	s8 =	sshrl.u32 s23, $0x1;
	s7 =	sadd.s32 s4, s0;
	s9 =	smul.u32 $0x300, s4  }
0xe: {  	s6 =	ssub.s32 s23, s8;
	s4 =	sadd.s32 $0x7B700, s0;
	s8 =	simm.s32 $0x80  }
0xf: {  	s23 =	simm.s32 $0x8080;
	s24 =	sadd.s32 $0x19C00, s7;
	s6 =	smax.u32 s6, $0x1  }
0x10: {  	v2 =	vlaneseq.u32;
	s7 =	simm.s32 $0x2;
	[dreg:$0x3] =	wrdreg s24;
	s25 =	sadd.s32 s5, s9  }
0x11: {  	vm0 =	vmmov $0xffff;
	v1 =	vshrl.u32 v2, $0x3;
	s5 =	sadd.s32 $0x7B800, s0;
	s9 =	simm.s32 $0x1080;
	s24 =	simm.s32 $0x8880  }
0x12: {  	v0 =	vand.u32 $0x7, v2;
	v2 =	vor.u32 $0x8, v2;
	v1 =	vmul.u32 $0x8, v1;
	s0 =	simm.s32 $0x1;
	[dreg:$0x4] =	wrdreg s25;
	s25 =	simm.s32 $0x9080  }
.LBB2_1:
0x13: {  	s1 =	rddreg [dreg:$0x3]  }
0x14: {  	[tilespmem:s2], [sflag:$0x2] =	stream.linear.gather [hbm4b:s1+s2], $0x40, $0x38;
	[tilespmem:$0xC080] =	vst v63  }
0x15: {  	_ =	swait.ge [sflag:s7], $0x40  }
0x16: {  	[sflag:s7] =	ssyncset.done $0x0  }
0x17: {  	[sflag:s7] =	ssyncadd.s32 $0xFFFFFFC0  }
0x18: {  	v3 =	vld [tilespmem:$0x0];
	_ =	sdelay $0x4  }
0x19: {  	v4 =	vshrl.u32 v3, $0x3  }
0x1a: {  	v4 =	vmul.u32 $0x30, v4  }
0x1b: {  	v3 =	vand.u32 $0x7, v3  }
0x1c: {  	v3 =	vor.u32 v3, v4  }
0x1d: {  	v4 =	vperm.xlane v3, v0;
	_ =	sdelay $0x1  }
0x1e: {  	v4 =	vadd.s32 v1, v4;
	_ =	sdelay $0x3  }
0x1f: {  	v3 =	vperm.xlane v3, v2  }
0x20: {  	[tilespmem:s8], [sflag:$0x1] =	stream.indirect_vreg.gather [hbm4b:s3+s2], $0x80, v4, vm0, $0xb8;
	[tilespmem:$0xC080] =	vst v63  }
0x21: {  	s1 =	rddreg [dreg:$0x5];
	v3 =	vadd.s32 v1, v3  }
0x22: {  	[tilespmem:s1], [sflag:$0x1] =	stream.indirect_vreg.gather [hbm4b:s4+s2], $0x80, v4, vm0, $0xb8;
	[tilespmem:$0xC080] =	vst v63  }
0x23: {  	_ = 	snop  }
0x24: {  	[tilespmem:s9], [sflag:$0x1] =	stream.indirect_vreg.gather [hbm4b:s5+s2], $0x80, v4, vm0, $0xb8;
	[tilespmem:$0xC080] =	vst v63  }
0x25: {  	_ = 	snop  }
0x26: {  	[tilespmem:s10], [sflag:$0x1] =	stream.indirect_vreg.gather [hbm4b:s3+s2], $0x80, v3, vm0, $0xb8;
	[tilespmem:$0xC080] =	vst v63  }
0x27: {  	_ = 	snop  }
0x28: {  	[tilespmem:s11], [sflag:$0x1] =	stream.indirect_vreg.gather [hbm4b:s4+s2], $0x80, v3, vm0, $0xb8;
	[tilespmem:$0xC080] =	vst v63  }
0x29: {  	_ = 	snop  }
0x2a: {  	[tilespmem:s12], [sflag:$0x1] =	stream.indirect_vreg.gather [hbm4b:s5+s2], $0x80, v3, vm0, $0xb8;
	[tilespmem:$0xC080] =	vst v63  }
0x2b: {  	v3 =	vld [tilespmem:$0x10];
	_ =	sdelay $0x4  }
0x2c: {  	v61 =	vshrl.u32 v3, $0x3  }
0x2d: {  	v4 =	vmul.u32 $0x30, v61  }
0x2e: {  	v3 =	vand.u32 $0x7, v3  }
0x2f: {  	v3 =	vor.u32 v3, v4  }
0x30: {  	v4 =	vperm.xlane v3, v0;
	_ =	sdelay $0x1  }
0x31: {  	v4 =	vadd.s32 v1, v4;
	_ =	sdelay $0x3  }
0x32: {  	v3 =	vperm.xlane v3, v2  }
0x33: {  	[tilespmem:s13], [sflag:$0x1] =	stream.indirect_vreg.gather [hbm4b:s3+s2], $0x80, v4, vm0, $0xb8;
	[tilespmem:$0xC080] =	vst v63  }
0x34: {  	v3 =	vadd.s32 v1, v3  }
0x35: {  	[tilespmem:s14], [sflag:$0x1] =	stream.indirect_vreg.gather [hbm4b:s4+s2], $0x80, v4, vm0, $0xb8;
	[tilespmem:$0xC080] =	vst v63  }
0x36: {  	_ = 	snop  }
0x37: {  	[tilespmem:s15], [sflag:$0x1] =	stream.indirect_vreg.gather [hbm4b:s5+s2], $0x80, v4, vm0, $0xb8;
	[tilespmem:$0xC080] =	vst v63  }
0x38: {  	_ = 	snop  }
0x39: {  	[tilespmem:s16], [sflag:$0x1] =	stream.indirect_vreg.gather [hbm4b:s3+s2], $0x80, v3, vm0, $0xb8;
	[tilespmem:$0xC080] =	vst v63  }
0x3a: {  	_ = 	snop  }
0x3b: {  	[tilespmem:s17], [sflag:$0x1] =	stream.indirect_vreg.gather [hbm4b:s4+s2], $0x80, v3, vm0, $0xb8;
	[tilespmem:$0xC080] =	vst v63  }
0x3c: {  	_ = 	snop  }
0x3d: {  	[tilespmem:s18], [sflag:$0x1] =	stream.indirect_vreg.gather [hbm4b:s5+s2], $0x80, v3, vm0, $0xb8;
	[tilespmem:$0xC080] =	vst v63  }
0x3e: {  	v3 =	vld [tilespmem:$0x20];
	_ =	sdelay $0x4  }
0x3f: {  	v62 =	vshrl.u32 v3, $0x3  }
0x40: {  	v4 =	vmul.u32 $0x30, v62  }
0x41: {  	v3 =	vand.u32 $0x7, v3  }
0x42: {  	v3 =	vor.u32 v3, v4  }
0x43: {  	v4 =	vperm.xlane v3, v0;
	_ =	sdelay $0x1  }
0x44: {  	v4 =	vadd.s32 v1, v4;
	_ =	sdelay $0x3  }
0x45: {  	v3 =	vperm.xlane v3, v2  }
0x46: {  	[tilespmem:s19], [sflag:$0x1] =	stream.indirect_vreg.gather [hbm4b:s3+s2], $0x80, v4, vm0, $0xb8;
	[tilespmem:$0xC080] =	vst v63  }
0x47: {  	v3 =	vadd.s32 v1, v3  }
0x48: {  	[tilespmem:s20], [sflag:$0x1] =	stream.indirect_vreg.gather [hbm4b:s4+s2], $0x80, v4, vm0, $0xb8;
	[tilespmem:$0xC080] =	vst v63  }
0x49: {  	_ = 	snop  }
0x4a: {  	[tilespmem:s21], [sflag:$0x1] =	stream.indirect_vreg.gather [hbm4b:s5+s2], $0x80, v4, vm0, $0xb8;
	[tilespmem:$0xC080] =	vst v63  }
0x4b: {  	_ = 	snop  }
0x4c: {  	[tilespmem:s22], [sflag:$0x1] =	stream.indirect_vreg.gather [hbm4b:s3+s2], $0x80, v3, vm0, $0xb8;
	[tilespmem:$0xC080] =	vst v63  }
0x4d: {  	_ = 	snop  }
0x4e: {  	[tilespmem:s23], [sflag:$0x1] =	stream.indirect_vreg.gather [hbm4b:s4+s2], $0x80, v3, vm0, $0xb8;
	[tilespmem:$0xC080] =	vst v63  }
0x4f: {  	_ = 	snop  }
0x50: {  	[tilespmem:s24], [sflag:$0x1] =	stream.indirect_vreg.gather [hbm4b:s5+s2], $0x80, v3, vm0, $0xb8;
	[tilespmem:$0xC080] =	vst v63  }
0x51: {  	v3 =	vld [tilespmem:$0x30];
	_ =	sdelay $0x4  }
0x52: {  	v63 =	vshrl.u32 v3, $0x3  }
0x53: {  	v4 =	vmul.u32 $0x30, v63  }
0x54: {  	v3 =	vand.u32 $0x7, v3  }
0x55: {  	v3 =	vor.u32 v3, v4  }
0x56: {  	v4 =	vperm.xlane v3, v0;
	_ =	sdelay $0x1  }
0x57: {  	v4 =	vadd.s32 v1, v4;
	_ =	sdelay $0x3  }
0x58: {  	v3 =	vperm.xlane v3, v2  }
0x59: {  	[tilespmem:s25], [sflag:$0x1] =	stream.indirect_vreg.gather [hbm4b:s3+s2], $0x80, v4, vm0, $0xb8;
	[tilespmem:$0xC080] =	vst v63  }
0x5a: {  	v3 =	vadd.s32 v1, v3  }
0x5b: {  	[tilespmem:s26], [sflag:$0x1] =	stream.indirect_vreg.gather [hbm4b:s4+s2], $0x80, v4, vm0, $0xb8;
	[tilespmem:$0xC080] =	vst v63  }
0x5c: {  	_ = 	snop  }
0x5d: {  	[tilespmem:s28], [sflag:$0x1] =	stream.indirect_vreg.gather [hbm4b:s5+s2], $0x80, v4, vm0, $0xb8;
	[tilespmem:$0xC080] =	vst v63  }
0x5e: {  	_ = 	snop  }
0x5f: {  	[tilespmem:s29], [sflag:$0x1] =	stream.indirect_vreg.gather [hbm4b:s3+s2], $0x80, v3, vm0, $0xb8;
	[tilespmem:$0xC080] =	vst v63  }
0x60: {  	_ = 	snop  }
0x61: {  	[tilespmem:s30], [sflag:$0x1] =	stream.indirect_vreg.gather [hbm4b:s4+s2], $0x80, v3, vm0, $0xb8;
	[tilespmem:$0xC080] =	vst v63  }
0x62: {  	_ = 	snop  }
0x63: {  	[tilespmem:s31], [sflag:$0x1] =	stream.indirect_vreg.gather [hbm4b:s5+s2], $0x80, v3, vm0, $0xb8;
	[tilespmem:$0xC080] =	vst v63  }
0x64: {  	_ =	swait.ge [sflag:s0], $0xC000  }
0x65: {  	p0 =	sne.s32 s6, $0x1;
	[sflag:s0] =	ssyncset.done $0x0  }
.Ltmp0:
0x66: {  	s1 =	rddreg [dreg:$0x4];
	[sflag:s0] =	ssyncadd.s32 $0xFFFF4000;
	(pc) =	sbr.rel @p0 .LBB2_1-.Ltmp0, $4  }
0x67: {  	[hbm4b:s1+s2] =	stream.linear.scatter [tilespmem:s8], [sflag:$0x2], $0xC000, $0x38;
	[tilespmem:$0xC080] =	vst v63  }
0x68: {  	_ =	swait.ge [sflag:s7], $0xC000  }
0x69: {  	[sflag:s7] =	ssyncset.done $0x0  }
0x6a: {  	s6 =	sadd.s32 $0xFFFFFFFF, s6;
	[sflag:s7] =	ssyncadd.s32 $0xFFFF4000  }
0x6b: {  	_ =	sfence.sel $0x180000  }
0x6c: {  	[bflag:$0x0] =	sbarrier.arrive $0xFFFF  }
0x6d: {  	_ =	strace $0x9000004A  }
0x6e: {  	s0 =	stileid.u32;
	[bflag:$0x2] =	sbarrier.arrive $0xFFFF  }
0x6f: {  	p0 =	sne.s32 s0, $0x0;
	s0 =	rddreg [dreg:$0x2]  }
0x70: {  	s0 =	sadd.s32 @!p0 $0x100000, s0  }
0x71: {  	[sflag:s0] =	ssyncadd.tile.s32 @!p0 $0x1;
	_ =	shalt  }
.Lfunc_end2:
_tile_overlayer_lowered:
.L_overlay_start_2:
0x72: {  	(tag) =	ssettag $0x2  }
0x73: {  	s0 =	rddreg [dreg:$0x0];
	s2 =	stileid.u32  }
0x74: {  	s1 =	rddreg [dreg:$0x1];
	p0 =	sne.s32 s2, $0x0  }
0x75: {  	s3 =	rddreg [dreg:$0x2];
	[bflag:$0x3] =	sbarrier.arrive $0xFFFF;
	s2 =	simm.s32 @!p0 $0x1C02  }
0x76: {  	[timem:s3], [sflag:s2] =	dma.local @!p0 [hbm:s0], s1  }
0x77: {  	s0 =	simm.s32 @!p0 $0x2  }
0x78: {  	_ =	swait.ge @!p0 [sflag:s0], s1  }
0x79: {  	s1 =	ssub.s32 @!p0 $0x0, s1;
	[sflag:s0] =	ssyncset.done @!p0 $0x0  }
0x7a: {  	[sflag:s0] =	ssyncadd.s32 @!p0 s1  }
0x7b: {  	[bflag:$0x3] =	sbarrier.arrive $0xFFFF  }
0x7c: {  	_ =	shalt  }

</sc_bundles>
